<compile_context>
chip_gen: v7x
topology: tpu7x:2x2x1
jax: 0.10.2.dev20260603
libtpu: 0.0.44.dev20260713+nightly
codegen_flags: <defaults>
</compile_context>

<pallas_src>
import functools

import jax
import jax.numpy as jnp
from jax import lax
from jax.experimental import pallas as pl
from jax.experimental.pallas import tpu as pltpu
from jax.experimental.pallas import tpu_sc as plsc

N = 10000
E = 160000
D = 256
R = 200

NPAD = 10240
NB = 1024
RL = 128
RH = R - RL
LSZ = NPAD * RL
HSZ = RH * NPAD
NR = LSZ + HSZ
N_TILES = 16
ROWS = 80
CHUNK = 128
EPT = ROWS * CHUNK
EPAD = N_TILES * EPT
ZCHUNK = NR // N_TILES


GROUP = 4
N_GROUPS = ROWS // GROUP
DUMMY = NR


def _count_body(pk_hbm, zeros_hbm, ones_hbm, outl_i, outh_i, outl_o, outh_o,
                pk_a, pk_b, key_a, key_b, one_v, cnt_sh,
                sem_a, sem_b, sem_s):
    c = lax.axis_index("c")
    s = lax.axis_index("s")

    with jax.named_scope("cnt_init"):
        pltpu.sync_copy(ones_hbm, one_v)
        pltpu.async_copy(pk_hbm.at[s, pl.ds(0, GROUP)], pk_a, sem_a)
        pltpu.sync_copy(zeros_hbm, cnt_sh.at[pl.ds(s * ZCHUNK, ZCHUNK)])
        plsc.subcore_barrier()

    tgt_v = jnp.full((16,), 2, jnp.int32) - lax.broadcast(c, (16,))
    two_v = jnp.full((16,), 2, jnp.int32)
    three_v = jnp.full((16,), 3, jnp.int32)
    dumbase_v = jnp.full((16,), DUMMY, jnp.int32)
    m1023_v = jnp.full((16,), 1023, jnp.int32)

    def keys_from(pk_v, key_v):
        for jr in range(GROUP):
            for jc in range(CHUNK // 16):
                w = pk_v[jr, pl.ds(jc * 16, 16)]
                k = lax.shift_right_logical(w, two_v)
                mb = lax.bitwise_and(w, three_v)
                d = dumbase_v + lax.bitwise_and(k, m1023_v)
                key_v[pl.ds(jr * CHUNK + jc * 16, 16)] = jnp.where(
                    mb == tgt_v, k, d)

    def pair(j, carry):
        g0 = 2 * j
        pltpu.make_async_copy(pk_hbm.at[s, pl.ds(g0 * GROUP, GROUP)],
                              pk_a, sem_a).wait()
        pltpu.async_copy(pk_hbm.at[s, pl.ds((g0 + 1) * GROUP, GROUP)],
                         pk_b, sem_b)
        keys_from(pk_a, key_a)
        descs = [pltpu.async_copy(one_v, cnt_sh.at[key_a], sem_s, add=True)]

        pltpu.make_async_copy(pk_hbm.at[s, pl.ds((g0 + 1) * GROUP, GROUP)],
                              pk_b, sem_b).wait()

        @pl.when(g0 + 2 < N_GROUPS)
        def _():
            pltpu.async_copy(pk_hbm.at[s, pl.ds((g0 + 2) * GROUP, GROUP)],
                             pk_a, sem_a)

        keys_from(pk_b, key_b)
        descs += [pltpu.async_copy(one_v, cnt_sh.at[key_b], sem_s, add=True)]
        for d in descs:
            d.wait()
        return carry

    with jax.named_scope("cnt_scan"):
        lax.fori_loop(0, N_GROUPS // 2, pair, 0)

        plsc.subcore_barrier()

    LREM = LSZ - 10 * ZCHUNK
    HREM = ZCHUNK - LREM
    with jax.named_scope("cnt_out"):
        @pl.when(c == 0)
        def _out_i():
            _readback(s, cnt_sh, outl_i, outh_i, LREM, HREM)

        @pl.when(c == 1)
        def _out_o():
            _readback(s, cnt_sh, outl_o, outh_o, LREM, HREM)


def _readback(s, cnt_sh, outl, outh, lrem, hrem):
    @pl.when(s < 10)
    def _l():
        pltpu.sync_copy(cnt_sh.at[pl.ds(s * ZCHUNK, ZCHUNK)],
                        outl.at[pl.ds(s * ZCHUNK, ZCHUNK)])

    @pl.when(s == 10)
    def _split():
        pltpu.sync_copy(cnt_sh.at[pl.ds(10 * ZCHUNK, lrem)],
                        outl.at[pl.ds(10 * ZCHUNK, lrem)])
        pltpu.sync_copy(cnt_sh.at[pl.ds(LSZ, hrem)],
                        outh.at[pl.ds(0, hrem)])

    @pl.when(s > 10)
    def _h():
        off = s * ZCHUNK - LSZ
        pltpu.sync_copy(cnt_sh.at[pl.ds(s * ZCHUNK, ZCHUNK)],
                        outh.at[pl.ds(off, ZCHUNK)])


_count_kernel = functools.partial(
    pl.kernel,
    out_type=[
        jax.ShapeDtypeStruct((LSZ,), jnp.float32),
        jax.ShapeDtypeStruct((HSZ,), jnp.float32),
        jax.ShapeDtypeStruct((LSZ,), jnp.float32),
        jax.ShapeDtypeStruct((HSZ,), jnp.float32),
    ],
    mesh=plsc.VectorSubcoreMesh(core_axis_name="c", subcore_axis_name="s"),
    scratch_types=[
        pltpu.VMEM((GROUP, CHUNK), jnp.int32),
        pltpu.VMEM((GROUP, CHUNK), jnp.int32),
        pltpu.VMEM((GROUP * CHUNK,), jnp.int32),
        pltpu.VMEM((GROUP * CHUNK,), jnp.int32),
        pltpu.VMEM((GROUP * CHUNK,), jnp.float32),
        pltpu.VMEM_SHARED((NR + 1040,), jnp.float32),
        pltpu.SemaphoreType.DMA,
        pltpu.SemaphoreType.DMA,
        pltpu.SemaphoreType.DMA,
    ],
)(_count_body)


_HI = jax.lax.Precision.HIGHEST


def _s_body(ent_ref, rell_ref, relh_ref, sl_ref, sh_ref):
    ent = ent_ref[...]
    sl_ref[...] = lax.dot_general(ent, rell_ref[...],
                                  (((1,), (1,)), ((), ())), precision=_HI)
    sh_ref[...] = lax.dot_general(relh_ref[...], ent,
                                  (((1,), (1,)), ((), ())), precision=_HI)


def _tr(v):
    return lax.transpose(v, (1, 0))


def _main_body(sl_ref, sh_ref, cil_ref, cih_ref, col_ref, coh_ref,
               rel_ref, wi_ref, wo_ref, bi_ref, bo_ref,
               neigh_ref, stats_ref, hi_s, ho_s):
    i = pl.program_id(0)

    @pl.when(i == 0)
    def _init():
        rel = rel_ref[...]
        hi_s[...] = lax.dot_general(rel, wi_ref[...], (((1,), (1,)), ((), ())),
                                    precision=_HI) + bi_ref[...]
        ho_s[...] = lax.dot_general(rel, wo_ref[...], (((1,), (1,)), ((), ())),
                                    precision=_HI) + bo_ref[...]
        stats_ref[...] = jnp.zeros((8, D), jnp.float32)

    neg = jnp.float32(-1e30)
    sl = sl_ref[...]
    sh = sh_ref[...]
    cil, col = cil_ref[...], col_ref[...]
    cih, coh = cih_ref[...], coh_ref[...]
    cl = cil + col
    ch = cih + coh
    tl = jnp.where(cl > 0.0, sl, neg)
    th = jnp.where(ch > 0.0, sh, neg)
    mx = jnp.maximum(jnp.max(tl, axis=1, keepdims=True),
                     _tr(jnp.max(th, axis=0, keepdims=True)))
    mx_c = _tr(mx)
    exl = jnp.exp(tl - mx)
    exh = jnp.exp(th - mx_c)
    wl = cl * exl
    wh = ch * exh
    denom = (jnp.sum(wl, axis=1, keepdims=True)
             + _tr(jnp.sum(wh, axis=0, keepdims=True)))
    dsafe = jnp.where(denom > 0.0, denom, 1.0)
    dsafe_c = _tr(dsafe)
    pil = cil * exl / dsafe
    pol = col * exl / dsafe
    pih = cih * exh / dsafe_c
    poh = coh * exh / dsafe_c
    neigh = (lax.dot_general(pil, hi_s[0:RL], (((1,), (0,)), ((), ())))
             + lax.dot_general(pol, ho_s[0:RL], (((1,), (0,)), ((), ())))
             + lax.dot_general(pih, hi_s[RL:R], (((0,), (0,)), ((), ())))
             + lax.dot_general(poh, ho_s[RL:R], (((0,), (0,)), ((), ()))))
    neigh_ref[...] = neigh
    stats_ref[0:1, :] = stats_ref[0:1, :] + jnp.sum(neigh, axis=0,
                                                    keepdims=True)
    stats_ref[1:2, :] = stats_ref[1:2, :] + jnp.sum(neigh * neigh, axis=0,
                                                    keepdims=True)


def _bn_body(neigh_ref, stats_ref, gamma_ref, beta_ref, out_ref):
    mean = stats_ref[0:1, :] / jnp.float32(N)
    var = stats_ref[1:2, :] / jnp.float32(N) - mean * mean
    inv = lax.rsqrt(var + 1e-5)
    out_ref[...] = jnp.tanh((neigh_ref[...] - mean) * inv * gamma_ref[...]
                            + beta_ref[...])


def kernel(ent_emb, rel_emb, W_o, b_o, W_i, b_i, gamma, beta, edge_index,
           etype, in_edges_mask):
    dst = edge_index[1].astype(jnp.int32)
    ety = etype.astype(jnp.int32)
    msk = in_edges_mask.astype(jnp.int32)

    pad = EPAD - E
    key = jnp.where(ety < RL, dst * RL + ety,
                    LSZ + (ety - RL) * NPAD + dst)
    packed = key * 4 + jnp.where(msk > 0, 2, 1)
    pk3 = jnp.pad(packed, (0, pad)).reshape(N_TILES, ROWS, CHUNK)
    zeros = jnp.zeros((ZCHUNK,), jnp.float32)
    ones = jnp.ones((GROUP * CHUNK,), jnp.float32)

    grid = NPAD // NB
    SL, SH = pl.pallas_call(
        _s_body,
        grid=(grid,),
        in_specs=[
            pl.BlockSpec((NB, D), lambda i: (i, 0)),
            pl.BlockSpec((RL, D), lambda i: (0, 0)),
            pl.BlockSpec((RH, D), lambda i: (0, 0)),
        ],
        out_specs=[
            pl.BlockSpec((NB, RL), lambda i: (i, 0)),
            pl.BlockSpec((RH, NB), lambda i: (0, i)),
        ],
        out_shape=[
            jax.ShapeDtypeStruct((NPAD, RL), jnp.float32),
            jax.ShapeDtypeStruct((RH, NPAD), jnp.float32),
        ],
    )(ent_emb, rel_emb[:RL], rel_emb[RL:])

    cil, cih, col, coh = _count_kernel(pk3, zeros, ones)
    cil = cil.reshape(NPAD, RL)
    col = col.reshape(NPAD, RL)
    cih = cih.reshape(RH, NPAD)
    coh = coh.reshape(RH, NPAD)

    neigh, stats = pl.pallas_call(
        _main_body,
        grid=(grid,),
        in_specs=[
            pl.BlockSpec((NB, RL), lambda i: (i, 0)),
            pl.BlockSpec((RH, NB), lambda i: (0, i)),
            pl.BlockSpec((NB, RL), lambda i: (i, 0)),
            pl.BlockSpec((RH, NB), lambda i: (0, i)),
            pl.BlockSpec((NB, RL), lambda i: (i, 0)),
            pl.BlockSpec((RH, NB), lambda i: (0, i)),
            pl.BlockSpec((R, D), lambda i: (0, 0)),
            pl.BlockSpec((D, D), lambda i: (0, 0)),
            pl.BlockSpec((D, D), lambda i: (0, 0)),
            pl.BlockSpec((1, D), lambda i: (0, 0)),
            pl.BlockSpec((1, D), lambda i: (0, 0)),
        ],
        out_specs=[
            pl.BlockSpec((NB, D), lambda i: (i, 0)),
            pl.BlockSpec((8, D), lambda i: (0, 0)),
        ],
        out_shape=[
            jax.ShapeDtypeStruct((NPAD, D), jnp.float32),
            jax.ShapeDtypeStruct((8, D), jnp.float32),
        ],
        scratch_shapes=[
            pltpu.VMEM((R, D), jnp.float32),
            pltpu.VMEM((R, D), jnp.float32),
        ],
    )(SL, SH, cil, cih, col, coh, rel_emb, W_i, W_o,
      b_i.reshape(1, D), b_o.reshape(1, D))

    out = pl.pallas_call(
        _bn_body,
        grid=(grid,),
        in_specs=[
            pl.BlockSpec((1000, D), lambda i: (i, 0)),
            pl.BlockSpec((8, D), lambda i: (0, 0)),
            pl.BlockSpec((1, D), lambda i: (0, 0)),
            pl.BlockSpec((1, D), lambda i: (0, 0)),
        ],
        out_specs=pl.BlockSpec((1000, D), lambda i: (i, 0)),
        out_shape=jax.ShapeDtypeStruct((N, D), jnp.float32),
    )(neigh, stats, gamma.reshape(1, D), beta.reshape(1, D))

    return out

# --- scband reference (transcript-rebuilt; emitter-appended) ---
"""Pipeline reference for scband-edge-layer-55267639165388 (READ-ONLY COPY).

The authoritative reference and input builder live on the scoring server;
editing this copy changes nothing except your own understanding.
"""

import jax, jax.numpy as jnp
import numpy as np

N = 10000
E = 160000
D = 256
R = 200


def setup_inputs(seed: int = 0) -> dict:
    key = jax.random.key(seed)
    ks = jax.random.split(key, 8)
    ent_emb = jax.random.normal(ks[0], (N, D), dtype=jnp.float32)
    rel_emb = jax.random.normal(ks[1], (R, D), dtype=jnp.float32)
    edge_index = jax.random.randint(ks[2], (2, E), 0, N, dtype=jnp.int64 if jax.config.jax_enable_x64 else jnp.int32)
    etype = jax.random.randint(ks[3], (E,), 0, R, dtype=jnp.int64 if jax.config.jax_enable_x64 else jnp.int32)
    in_edges_mask = jax.random.randint(ks[4], (E,), 0, 2) > 0
    xav = float(np.sqrt(2.0 / (D + D)))
    W_o = jax.random.normal(ks[5], (D, D), dtype=jnp.float32) * xav
    b_o = jnp.zeros((D,), dtype=jnp.float32)
    W_i = jax.random.normal(ks[6], (D, D), dtype=jnp.float32) * xav
    b_i = jnp.zeros((D,), dtype=jnp.float32)
    gamma = jnp.ones((D,), dtype=jnp.float32)
    beta = jnp.zeros((D,), dtype=jnp.float32)
    return {
        "ent_emb": ent_emb,
        "rel_emb": rel_emb,
        "W_o": W_o,
        "b_o": b_o,
        "W_i": W_i,
        "b_i": b_i,
        "gamma": gamma,
        "beta": beta,
        "edge_index": edge_index,
        "etype": etype,
        "in_edges_mask": in_edges_mask,
    }


def reference(ent_emb, rel_emb, W_o, b_o, W_i, b_i, gamma, beta, edge_index, etype, in_edges_mask):
    dst = edge_index[1]
    # edge embeddings gathered from relation table: g.edata['emb'] = rel_emb[etype]
    e_emb = jnp.take(rel_emb, etype, axis=0)
    # fn.e_dot_v('emb','emb','attn'): dot of edge emb with dst node emb
    attn = jnp.sum(e_emb * jnp.take(ent_emb, dst, axis=0), axis=-1)
    # dgl.ops.edge_softmax: softmax over incoming edges per dst node
    mx = jax.ops.segment_max(attn, dst, num_segments=N)
    mx = jnp.where(jnp.isfinite(mx), mx, 0.0)
    ex = jnp.exp(attn - jnp.take(mx, dst, axis=0))
    denom = jax.ops.segment_sum(ex, dst, num_segments=N)
    alpha = ex / jnp.take(denom, dst, axis=0)
    # in_out_calc: out-edges -> w_o, in-edges -> w_i (masks partition the edge set)
    comp_h_o = e_emb @ W_o.T + b_o
    comp_h_i = e_emb @ W_i.T + b_i
    new_comp_h = jnp.where(in_edges_mask[:, None], comp_h_i, comp_h_o)
    # weight by attention and aggregate: update_all(copy_e, sum) over dst
    msg = new_comp_h * alpha[:, None]
    neigh = jax.ops.segment_sum(msg, dst, num_segments=N)
    # BatchNorm1d (training-mode batch stats) + tanh
    mean = jnp.mean(neigh, axis=0)
    var = jnp.var(neigh, axis=0)
    nh = (neigh - mean) / jnp.sqrt(var + 1e-5) * gamma + beta
    return jnp.tanh(nh)

if __name__ == "__main__":
    import jax
    _d = setup_inputs()
    print(jax.jit(kernel)(*tuple(_d.values())))

</pallas_src>

<mosaic_0001>
#map = affine_map<(d0, d1) -> (0, 0, 0)>
#map1 = affine_map<(d0, d1) -> (0)>
module attributes {stable_mosaic.version = 14 : i64} {
  func.func @_count_body(%arg0: i32, %arg1: i32, %arg2: memref<16x80x128xi32, #tpu.memory_space<hbm>>, %arg3: memref<128000xf32, #tpu.memory_space<hbm>>, %arg4: memref<512xf32, #tpu.memory_space<hbm>>, %arg5: memref<1310720xf32, #tpu.memory_space<hbm>>, %arg6: memref<737280xf32, #tpu.memory_space<hbm>>, %arg7: memref<1310720xf32, #tpu.memory_space<hbm>>, %arg8: memref<737280xf32, #tpu.memory_space<hbm>>, %arg9: memref<4x128xi32, #tpu.memory_space<vmem>>, %arg10: memref<4x128xi32, #tpu.memory_space<vmem>>, %arg11: memref<512xi32, #tpu.memory_space<vmem>>, %arg12: memref<512xi32, #tpu.memory_space<vmem>>, %arg13: memref<512xf32, #tpu.memory_space<vmem>>, %arg14: memref<2049040xf32, #tpu.memory_space<vmem_shared>>, %arg15: memref<!tpu.dma_semaphore, #tpu.memory_space<semaphore_mem>>, %arg16: memref<!tpu.dma_semaphore, #tpu.memory_space<semaphore_mem>>, %arg17: memref<!tpu.dma_semaphore, #tpu.memory_space<semaphore_mem>>) attributes {dimension_semantics = [#tpu.dimension_semantics<core_parallel>, #tpu.dimension_semantics<subcore_parallel>], iteration_bounds = array<i64: 2, 16>, scalar_prefetch = 0 : i64, scratch_operands = 9 : i64, tpu.core_type = #tpu.core_type<sc_vector_subcore>, window_params = [{transform_indices = #map}, {transform_indices = #map1}, {transform_indices = #map1}, {transform_indices = #map1}, {transform_indices = #map1}, {transform_indices = #map1}, {transform_indices = #map1}]} {
    "tpu.trace_start"() <{level = 10 : i32, message = "cnt_init"}> : () -> ()
    "tpu.region"() ({
      %run_scoped3A = tpu.sem_alloc : memref<!tpu.dma_semaphore, #tpu.memory_space<semaphore_mem>>
      tpu.enqueue_dma source(%arg4 : memref<512xf32, #tpu.memory_space<hbm>>) target(%arg13 : memref<512xf32, #tpu.memory_space<vmem>>) target_semaphore(%run_scoped3A : memref<!tpu.dma_semaphore, #tpu.memory_space<semaphore_mem>>)
      tpu.wait_dma2 semaphore(%run_scoped3A : memref<!tpu.dma_semaphore, #tpu.memory_space<semaphore_mem>>) src(%arg4 : memref<512xf32, #tpu.memory_space<hbm>>) dst(%arg13 : memref<512xf32, #tpu.memory_space<vmem>>)
      tpu.yield
    }) : () -> ()
    %dma_start3A = arith.constant 0 : i32
    %dma_start3A_0 = arith.constant 0 : i32
    %dma_start3A_1 = tpu.memref_slice %arg2[%arg1, %dma_start3A, %dma_start3A_0] : memref<16x80x128xi32, #tpu.memory_space<hbm>> -> memref<1x4x128xi32, #tpu.memory_space<hbm>>
    %dma_start3A_2 = tpu.memref_squeeze %dma_start3A_1 : memref<1x4x128xi32, #tpu.memory_space<hbm>> -> memref<4x128xi32, #tpu.memory_space<hbm>>
    %dma_start3A_3 = arith.constant 0 : i32
    %dma_start3A_4 = arith.constant 0 : i32
    %dma_start3A_5 = tpu.memref_slice %arg2[%arg1, %dma_start3A_3, %dma_start3A_4] : memref<16x80x128xi32, #tpu.memory_space<hbm>> -> memref<1x4x128xi32, #tpu.memory_space<hbm>>
    %dma_start3A_6 = tpu.memref_squeeze %dma_start3A_5 : memref<1x4x128xi32, #tpu.memory_space<hbm>> -> memref<4x128xi32, #tpu.memory_space<hbm>>
    tpu.enqueue_dma source(%dma_start3A_6 : memref<4x128xi32, #tpu.memory_space<hbm>>) target(%arg9 : memref<4x128xi32, #tpu.memory_space<vmem>>) target_semaphore(%arg15 : memref<!tpu.dma_semaphore, #tpu.memory_space<semaphore_mem>>)
    %mul3A = arith.constant 128000 : i32
    %mul3A_7 = arith.muli %arg1, %mul3A : i32
    "tpu.region"() ({
      %run_scoped3A = tpu.sem_alloc : memref<!tpu.dma_semaphore, #tpu.memory_space<semaphore_mem>>
      %dma_start3A_31 = tpu.memref_slice %arg14[%mul3A_7] : memref<2049040xf32, #tpu.memory_space<vmem_shared>> -> memref<128000xf32, #tpu.memory_space<vmem_shared>>
      tpu.enqueue_dma source(%arg3 : memref<128000xf32, #tpu.memory_space<hbm>>) target(%dma_start3A_31 : memref<128000xf32, #tpu.memory_space<vmem_shared>>) target_semaphore(%run_scoped3A : memref<!tpu.dma_semaphore, #tpu.memory_space<semaphore_mem>>)
      %dma_wait3A = tpu.memref_slice %arg14[%mul3A_7] : memref<2049040xf32, #tpu.memory_space<vmem_shared>> -> memref<128000xf32, #tpu.memory_space<vmem_shared>>
      tpu.wait_dma2 semaphore(%run_scoped3A : memref<!tpu.dma_semaphore, #tpu.memory_space<semaphore_mem>>) src(%arg3 : memref<128000xf32, #tpu.memory_space<hbm>>) dst(%dma_wait3A : memref<128000xf32, #tpu.memory_space<vmem_shared>>)
      tpu.yield
    }) : () -> ()
    %barrier3A = arith.constant 0 : index
    tpu.barrier barrier_id(%barrier3A)
    %broadcast_in_dim3A = arith.constant 2 : i32
    "tpu.trace_stop"() : () -> ()
    %broadcast_in_dim3A_8 = vector.broadcast %broadcast_in_dim3A : i32 to vector<16xi32>
    %broadcast_in_dim3A_9 = vector.broadcast %arg0 : i32 to vector<16xi32>
    %sub3A = arith.subi %broadcast_in_dim3A_8, %broadcast_in_dim3A_9 : vector<16xi32>
    %broadcast_in_dim3A_10 = arith.constant 2 : i32
    %broadcast_in_dim3A_11 = vector.broadcast %broadcast_in_dim3A_10 : i32 to vector<16xi32>
    %broadcast_in_dim3A_12 = arith.constant 3 : i32
    %broadcast_in_dim3A_13 = vector.broadcast %broadcast_in_dim3A_12 : i32 to vector<16xi32>
    %broadcast_in_dim3A_14 = arith.constant 2048000 : i32
    %broadcast_in_dim3A_15 = vector.broadcast %broadcast_in_dim3A_14 : i32 to vector<16xi32>
    %broadcast_in_dim3A_16 = arith.constant 1023 : i32
    %broadcast_in_dim3A_17 = vector.broadcast %broadcast_in_dim3A_16 : i32 to vector<16xi32>
    "tpu.trace_start"() <{level = 10 : i32, message = "cnt_scan"}> : () -> ()
    %scan3A = arith.constant 0 : i32
    %scan3A_18 = arith.constant 0 : i32
    %scan3A_19 = arith.constant 10 : i32
    %scan3A_20 = arith.addi %scan3A_18, %scan3A_19 : i32
    %scan3A_21 = arith.constant 1 : i32
    scf.for %scan3A_31 = %scan3A_18 to %scan3A_20 step %scan3A_21  : i32 {
      %mul3A_32 = arith.constant 2 : i32
      %mul3A_33 = arith.muli %mul3A_32, %scan3A_31 : i32
      %mul3A_34 = arith.constant 4 : i32
      %mul3A_35 = arith.muli %mul3A_33, %mul3A_34 : i32
      %dma_wait3A = arith.constant 0 : i32
      %dma_wait3A_36 = tpu.memref_slice %arg2[%arg1, %mul3A_35, %dma_wait3A] : memref<16x80x128xi32, #tpu.memory_space<hbm>> -> memref<1x4x128xi32, #tpu.memory_space<hbm>>
      %dma_wait3A_37 = tpu.memref_squeeze %dma_wait3A_36 : memref<1x4x128xi32, #tpu.memory_space<hbm>> -> memref<4x128xi32, #tpu.memory_space<hbm>>
      %dma_wait3A_38 = arith.constant 0 : i32
      %dma_wait3A_39 = tpu.memref_slice %arg2[%arg1, %mul3A_35, %dma_wait3A_38] : memref<16x80x128xi32, #tpu.memory_space<hbm>> -> memref<1x4x128xi32, #tpu.memory_space<hbm>>
      %dma_wait3A_40 = tpu.memref_squeeze %dma_wait3A_39 : memref<1x4x128xi32, #tpu.memory_space<hbm>> -> memref<4x128xi32, #tpu.memory_space<hbm>>
      tpu.wait_dma2 semaphore(%arg15 : memref<!tpu.dma_semaphore, #tpu.memory_space<semaphore_mem>>) src(%dma_wait3A_40 : memref<4x128xi32, #tpu.memory_space<hbm>>) dst(%arg9 : memref<4x128xi32, #tpu.memory_space<vmem>>)
      %add3A = arith.constant 1 : i32
      %add3A_41 = arith.addi %mul3A_33, %add3A : i32
      %mul3A_42 = arith.constant 4 : i32
      %mul3A_43 = arith.muli %add3A_41, %mul3A_42 : i32
      %dma_start3A_44 = arith.constant 0 : i32
      %dma_start3A_45 = tpu.memref_slice %arg2[%arg1, %mul3A_43, %dma_start3A_44] : memref<16x80x128xi32, #tpu.memory_space<hbm>> -> memref<1x4x128xi32, #tpu.memory_space<hbm>>
      %dma_start3A_46 = tpu.memref_squeeze %dma_start3A_45 : memref<1x4x128xi32, #tpu.memory_space<hbm>> -> memref<4x128xi32, #tpu.memory_space<hbm>>
      %dma_start3A_47 = arith.constant 0 : i32
      %dma_start3A_48 = tpu.memref_slice %arg2[%arg1, %mul3A_43, %dma_start3A_47] : memref<16x80x128xi32, #tpu.memory_space<hbm>> -> memref<1x4x128xi32, #tpu.memory_space<hbm>>
      %dma_start3A_49 = tpu.memref_squeeze %dma_start3A_48 : memref<1x4x128xi32, #tpu.memory_space<hbm>> -> memref<4x128xi32, #tpu.memory_space<hbm>>
      tpu.enqueue_dma source(%dma_start3A_49 : memref<4x128xi32, #tpu.memory_space<hbm>>) target(%arg10 : memref<4x128xi32, #tpu.memory_space<vmem>>) target_semaphore(%arg16 : memref<!tpu.dma_semaphore, #tpu.memory_space<semaphore_mem>>)
      %get3A = arith.constant 0 : i32
      %get3A_50 = arith.index_cast %get3A : i32 to index
      %get3A_51 = arith.constant 0 : index
      %get3A_52 = tpu.vector_load %arg9[%get3A_50, %get3A_51] {strides = array<i32>} : memref<4x128xi32, #tpu.memory_space<vmem>>, vector<1x16xi32>,
      %get3A_53 = vector.shape_cast %get3A_52 : vector<1x16xi32> to vector<16xi32>
      %shift_right_logical3A = arith.shrui %get3A_53, %broadcast_in_dim3A_11 : vector<16xi32>
      %and3A = arith.andi %get3A_53, %broadcast_in_dim3A_13 : vector<16xi32>
      %and3A_54 = arith.andi %shift_right_logical3A, %broadcast_in_dim3A_17 : vector<16xi32>
      %add3A_55 = arith.addi %broadcast_in_dim3A_15, %and3A_54 : vector<16xi32>
      %eq3A_56 = arith.cmpi eq, %and3A, %sub3A : vector<16xi32>
      %select_n3A = arith.select %eq3A_56, %shift_right_logical3A, %add3A_55 : vector<16xi1>, vector<16xi32>
      %swap3A = arith.constant 0 : index
      %swap3A_57 = tpu.vector_load %arg11[%swap3A] {strides = array<i32>} : memref<512xi32, #tpu.memory_space<vmem>>, vector<16xi32>,
      %swap3A_58 = vector.shape_cast %swap3A_57 : vector<16xi32> to vector<16xi32>
      %swap3A_59 = vector.shape_cast %select_n3A : vector<16xi32> to vector<16xi32>
      tpu.vector_store %arg11[%swap3A], %swap3A_59 {strides = array<i32>} : memref<512xi32, #tpu.memory_space<vmem>>, vector<16xi32>,
      %get3A_60 = arith.constant 0 : i32
      %get3A_61 = arith.index_cast %get3A_60 : i32 to index
      %get3A_62 = arith.constant 16 : index
      %get3A_63 = tpu.vector_load %arg9[%get3A_61, %get3A_62] {strides = array<i32>} : memref<4x128xi32, #tpu.memory_space<vmem>>, vector<1x16xi32>,
      %get3A_64 = vector.shape_cast %get3A_63 : vector<1x16xi32> to vector<16xi32>
      %shift_right_logical3A_65 = arith.shrui %get3A_64, %broadcast_in_dim3A_11 : vector<16xi32>
      %and3A_66 = arith.andi %get3A_64, %broadcast_in_dim3A_13 : vector<16xi32>
      %and3A_67 = arith.andi %shift_right_logical3A_65, %broadcast_in_dim3A_17 : vector<16xi32>
      %add3A_68 = arith.addi %broadcast_in_dim3A_15, %and3A_67 : vector<16xi32>
      %eq3A_69 = arith.cmpi eq, %and3A_66, %sub3A : vector<16xi32>
      %select_n3A_70 = arith.select %eq3A_69, %shift_right_logical3A_65, %add3A_68 : vector<16xi1>, vector<16xi32>
      %swap3A_71 = arith.constant 16 : index
      %swap3A_72 = tpu.vector_load %arg11[%swap3A_71] {strides = array<i32>} : memref<512xi32, #tpu.memory_space<vmem>>, vector<16xi32>,
      %swap3A_73 = vector.shape_cast %swap3A_72 : vector<16xi32> to vector<16xi32>
      %swap3A_74 = vector.shape_cast %select_n3A_70 : vector<16xi32> to vector<16xi32>
      tpu.vector_store %arg11[%swap3A_71], %swap3A_74 {strides = array<i32>} : memref<512xi32, #tpu.memory_space<vmem>>, vector<16xi32>,
      %get3A_75 = arith.constant 0 : i32
      %get3A_76 = arith.index_cast %get3A_75 : i32 to index
      %get3A_77 = arith.constant 32 : index
      %get3A_78 = tpu.vector_load %arg9[%get3A_76, %get3A_77] {strides = array<i32>} : memref<4x128xi32, #tpu.memory_space<vmem>>, vector<1x16xi32>,
      %get3A_79 = vector.shape_cast %get3A_78 : vector<1x16xi32> to vector<16xi32>
      %shift_right_logical3A_80 = arith.shrui %get3A_79, %broadcast_in_dim3A_11 : vector<16xi32>
      %and3A_81 = arith.andi %get3A_79, %broadcast_in_dim3A_13 : vector<16xi32>
      %and3A_82 = arith.andi %shift_right_logical3A_80, %broadcast_in_dim3A_17 : vector<16xi32>
      %add3A_83 = arith.addi %broadcast_in_dim3A_15, %and3A_82 : vector<16xi32>
      %eq3A_84 = arith.cmpi eq, %and3A_81, %sub3A : vector<16xi32>
      %select_n3A_85 = arith.select %eq3A_84, %shift_right_logical3A_80, %add3A_83 : vector<16xi1>, vector<16xi32>
      %swap3A_86 = arith.constant 32 : index
      %swap3A_87 = tpu.vector_load %arg11[%swap3A_86] {strides = array<i32>} : memref<512xi32, #tpu.memory_space<vmem>>, vector<16xi32>,
      %swap3A_88 = vector.shape_cast %swap3A_87 : vector<16xi32> to vector<16xi32>
      %swap3A_89 = vector.shape_cast %select_n3A_85 : vector<16xi32> to vector<16xi32>
      tpu.vector_store %arg11[%swap3A_86], %swap3A_89 {strides = array<i32>} : memref<512xi32, #tpu.memory_space<vmem>>, vector<16xi32>,
      %get3A_90 = arith.constant 0 : i32
      %get3A_91 = arith.index_cast %get3A_90 : i32 to index
      %get3A_92 = arith.constant 48 : index
      %get3A_93 = tpu.vector_load %arg9[%get3A_91, %get3A_92] {strides = array<i32>} : memref<4x128xi32, #tpu.memory_space<vmem>>, vector<1x16xi32>,
      %get3A_94 = vector.shape_cast %get3A_93 : vector<1x16xi32> to vector<16xi32>
      %shift_right_logical3A_95 = arith.shrui %get3A_94, %broadcast_in_dim3A_11 : vector<16xi32>
      %and3A_96 = arith.andi %get3A_94, %broadcast_in_dim3A_13 : vector<16xi32>
      %and3A_97 = arith.andi %shift_right_logical3A_95, %broadcast_in_dim3A_17 : vector<16xi32>
      %add3A_98 = arith.addi %broadcast_in_dim3A_15, %and3A_97 : vector<16xi32>
      %eq3A_99 = arith.cmpi eq, %and3A_96, %sub3A : vector<16xi32>
      %select_n3A_100 = arith.select %eq3A_99, %shift_right_logical3A_95, %add3A_98 : vector<16xi1>, vector<16xi32>
      %swap3A_101 = arith.constant 48 : index
      %swap3A_102 = tpu.vector_load %arg11[%swap3A_101] {strides = array<i32>} : memref<512xi32, #tpu.memory_space<vmem>>, vector<16xi32>,
      %swap3A_103 = vector.shape_cast %swap3A_102 : vector<16xi32> to vector<16xi32>
      %swap3A_104 = vector.shape_cast %select_n3A_100 : vector<16xi32> to vector<16xi32>
      tpu.vector_store %arg11[%swap3A_101], %swap3A_104 {strides = array<i32>} : memref<512xi32, #tpu.memory_space<vmem>>, vector<16xi32>,
      %get3A_105 = arith.constant 0 : i32
      %get3A_106 = arith.index_cast %get3A_105 : i32 to index
      %get3A_107 = arith.constant 64 : index
      %get3A_108 = tpu.vector_load %arg9[%get3A_106, %get3A_107] {strides = array<i32>} : memref<4x128xi32, #tpu.memory_space<vmem>>, vector<1x16xi32>,
      %get3A_109 = vector.shape_cast %get3A_108 : vector<1x16xi32> to vector<16xi32>
      %shift_right_logical3A_110 = arith.shrui %get3A_109, %broadcast_in_dim3A_11 : vector<16xi32>
      %and3A_111 = arith.andi %get3A_109, %broadcast_in_dim3A_13 : vector<16xi32>
      %and3A_112 = arith.andi %shift_right_logical3A_110, %broadcast_in_dim3A_17 : vector<16xi32>
      %add3A_113 = arith.addi %broadcast_in_dim3A_15, %and3A_112 : vector<16xi32>
      %eq3A_114 = arith.cmpi eq, %and3A_111, %sub3A : vector<16xi32>
      %select_n3A_115 = arith.select %eq3A_114, %shift_right_logical3A_110, %add3A_113 : vector<16xi1>, vector<16xi32>
      %swap3A_116 = arith.constant 64 : index
      %swap3A_117 = tpu.vector_load %arg11[%swap3A_116] {strides = array<i32>} : memref<512xi32, #tpu.memory_space<vmem>>, vector<16xi32>,
      %swap3A_118 = vector.shape_cast %swap3A_117 : vector<16xi32> to vector<16xi32>
      %swap3A_119 = vector.shape_cast %select_n3A_115 : vector<16xi32> to vector<16xi32>
      tpu.vector_store %arg11[%swap3A_116], %swap3A_119 {strides = array<i32>} : memref<512xi32, #tpu.memory_space<vmem>>, vector<16xi32>,
      %get3A_120 = arith.constant 0 : i32
      %get3A_121 = arith.index_cast %get3A_120 : i32 to index
      %get3A_122 = arith.constant 80 : index
      %get3A_123 = tpu.vector_load %arg9[%get3A_121, %get3A_122] {strides = array<i32>} : memref<4x128xi32, #tpu.memory_space<vmem>>, vector<1x16xi32>,
      %get3A_124 = vector.shape_cast %get3A_123 : vector<1x16xi32> to vector<16xi32>
      %shift_right_logical3A_125 = arith.shrui %get3A_124, %broadcast_in_dim3A_11 : vector<16xi32>
      %and3A_126 = arith.andi %get3A_124, %broadcast_in_dim3A_13 : vector<16xi32>
      %and3A_127 = arith.andi %shift_right_logical3A_125, %broadcast_in_dim3A_17 : vector<16xi32>
      %add3A_128 = arith.addi %broadcast_in_dim3A_15, %and3A_127 : vector<16xi32>
      %eq3A_129 = arith.cmpi eq, %and3A_126, %sub3A : vector<16xi32>
      %select_n3A_130 = arith.select %eq3A_129, %shift_right_logical3A_125, %add3A_128 : vector<16xi1>, vector<16xi32>
      %swap3A_131 = arith.constant 80 : index
      %swap3A_132 = tpu.vector_load %arg11[%swap3A_131] {strides = array<i32>} : memref<512xi32, #tpu.memory_space<vmem>>, vector<16xi32>,
      %swap3A_133 = vector.shape_cast %swap3A_132 : vector<16xi32> to vector<16xi32>
      %swap3A_134 = vector.shape_cast %select_n3A_130 : vector<16xi32> to vector<16xi32>
      tpu.vector_store %arg11[%swap3A_131], %swap3A_134 {strides = array<i32>} : memref<512xi32, #tpu.memory_space<vmem>>, vector<16xi32>,
      %get3A_135 = arith.constant 0 : i32
      %get3A_136 = arith.index_cast %get3A_135 : i32 to index
      %get3A_137 = arith.constant 96 : index
      %get3A_138 = tpu.vector_load %arg9[%get3A_136, %get3A_137] {strides = array<i32>} : memref<4x128xi32, #tpu.memory_space<vmem>>, vector<1x16xi32>,
      %get3A_139 = vector.shape_cast %get3A_138 : vector<1x16xi32> to vector<16xi32>
      %shift_right_logical3A_140 = arith.shrui %get3A_139, %broadcast_in_dim3A_11 : vector<16xi32>
      %and3A_141 = arith.andi %get3A_139, %broadcast_in_dim3A_13 : vector<16xi32>
      %and3A_142 = arith.andi %shift_right_logical3A_140, %broadcast_in_dim3A_17 : vector<16xi32>
      %add3A_143 = arith.addi %broadcast_in_dim3A_15, %and3A_142 : vector<16xi32>
      %eq3A_144 = arith.cmpi eq, %and3A_141, %sub3A : vector<16xi32>
      %select_n3A_145 = arith.select %eq3A_144, %shift_right_logical3A_140, %add3A_143 : vector<16xi1>, vector<16xi32>
      %swap3A_146 = arith.constant 96 : index
      %swap3A_147 = tpu.vector_load %arg11[%swap3A_146] {strides = array<i32>} : memref<512xi32, #tpu.memory_space<vmem>>, vector<16xi32>,
      %swap3A_148 = vector.shape_cast %swap3A_147 : vector<16xi32> to vector<16xi32>
      %swap3A_149 = vector.shape_cast %select_n3A_145 : vector<16xi32> to vector<16xi32>
      tpu.vector_store %arg11[%swap3A_146], %swap3A_149 {strides = array<i32>} : memref<512xi32, #tpu.memory_space<vmem>>, vector<16xi32>,
      %get3A_150 = arith.constant 0 : i32
      %get3A_151 = arith.index_cast %get3A_150 : i32 to index
      %get3A_152 = arith.constant 112 : index
      %get3A_153 = tpu.vector_load %arg9[%get3A_151, %get3A_152] {strides = array<i32>} : memref<4x128xi32, #tpu.memory_space<vmem>>, vector<1x16xi32>,
      %get3A_154 = vector.shape_cast %get3A_153 : vector<1x16xi32> to vector<16xi32>
      %shift_right_logical3A_155 = arith.shrui %get3A_154, %broadcast_in_dim3A_11 : vector<16xi32>
      %and3A_156 = arith.andi %get3A_154, %broadcast_in_dim3A_13 : vector<16xi32>
      %and3A_157 = arith.andi %shift_right_logical3A_155, %broadcast_in_dim3A_17 : vector<16xi32>
      %add3A_158 = arith.addi %broadcast_in_dim3A_15, %and3A_157 : vector<16xi32>
      %eq3A_159 = arith.cmpi eq, %and3A_156, %sub3A : vector<16xi32>
      %select_n3A_160 = arith.select %eq3A_159, %shift_right_logical3A_155, %add3A_158 : vector<16xi1>, vector<16xi32>
      %swap3A_161 = arith.constant 112 : index
      %swap3A_162 = tpu.vector_load %arg11[%swap3A_161] {strides = array<i32>} : memref<512xi32, #tpu.memory_space<vmem>>, vector<16xi32>,
      %swap3A_163 = vector.shape_cast %swap3A_162 : vector<16xi32> to vector<16xi32>
      %swap3A_164 = vector.shape_cast %select_n3A_160 : vector<16xi32> to vector<16xi32>
      tpu.vector_store %arg11[%swap3A_161], %swap3A_164 {strides = array<i32>} : memref<512xi32, #tpu.memory_space<vmem>>, vector<16xi32>,
      %get3A_165 = arith.constant 1 : i32
      %get3A_166 = arith.index_cast %get3A_165 : i32 to index
      %get3A_167 = arith.constant 0 : index
      %get3A_168 = tpu.vector_load %arg9[%get3A_166, %get3A_167] {strides = array<i32>} : memref<4x128xi32, #tpu.memory_space<vmem>>, vector<1x16xi32>,
      %get3A_169 = vector.shape_cast %get3A_168 : vector<1x16xi32> to vector<16xi32>
      %shift_right_logical3A_170 = arith.shrui %get3A_169, %broadcast_in_dim3A_11 : vector<16xi32>
      %and3A_171 = arith.andi %get3A_169, %broadcast_in_dim3A_13 : vector<16xi32>
      %and3A_172 = arith.andi %shift_right_logical3A_170, %broadcast_in_dim3A_17 : vector<16xi32>
      %add3A_173 = arith.addi %broadcast_in_dim3A_15, %and3A_172 : vector<16xi32>
      %eq3A_174 = arith.cmpi eq, %and3A_171, %sub3A : vector<16xi32>
      %select_n3A_175 = arith.select %eq3A_174, %shift_right_logical3A_170, %add3A_173 : vector<16xi1>, vector<16xi32>
      %swap3A_176 = arith.constant 128 : index
      %swap3A_177 = tpu.vector_load %arg11[%swap3A_176] {strides = array<i32>} : memref<512xi32, #tpu.memory_space<vmem>>, vector<16xi32>,
      %swap3A_178 = vector.shape_cast %swap3A_177 : vector<16xi32> to vector<16xi32>
      %swap3A_179 = vector.shape_cast %select_n3A_175 : vector<16xi32> to vector<16xi32>
      tpu.vector_store %arg11[%swap3A_176], %swap3A_179 {strides = array<i32>} : memref<512xi32, #tpu.memory_space<vmem>>, vector<16xi32>,
      %get3A_180 = arith.constant 1 : i32
      %get3A_181 = arith.index_cast %get3A_180 : i32 to index
      %get3A_182 = arith.constant 16 : index
      %get3A_183 = tpu.vector_load %arg9[%get3A_181, %get3A_182] {strides = array<i32>} : memref<4x128xi32, #tpu.memory_space<vmem>>, vector<1x16xi32>,
      %get3A_184 = vector.shape_cast %get3A_183 : vector<1x16xi32> to vector<16xi32>
      %shift_right_logical3A_185 = arith.shrui %get3A_184, %broadcast_in_dim3A_11 : vector<16xi32>
      %and3A_186 = arith.andi %get3A_184, %broadcast_in_dim3A_13 : vector<16xi32>
      %and3A_187 = arith.andi %shift_right_logical3A_185, %broadcast_in_dim3A_17 : vector<16xi32>
      %add3A_188 = arith.addi %broadcast_in_dim3A_15, %and3A_187 : vector<16xi32>
      %eq3A_189 = arith.cmpi eq, %and3A_186, %sub3A : vector<16xi32>
      %select_n3A_190 = arith.select %eq3A_189, %shift_right_logical3A_185, %add3A_188 : vector<16xi1>, vector<16xi32>
      %swap3A_191 = arith.constant 144 : index
      %swap3A_192 = tpu.vector_load %arg11[%swap3A_191] {strides = array<i32>} : memref<512xi32, #tpu.memory_space<vmem>>, vector<16xi32>,
      %swap3A_193 = vector.shape_cast %swap3A_192 : vector<16xi32> to vector<16xi32>
      %swap3A_194 = vector.shape_cast %select_n3A_190 : vector<16xi32> to vector<16xi32>
      tpu.vector_store %arg11[%swap3A_191], %swap3A_194 {strides = array<i32>} : memref<512xi32, #tpu.memory_space<vmem>>, vector<16xi32>,
      %get3A_195 = arith.constant 1 : i32
      %get3A_196 = arith.index_cast %get3A_195 : i32 to index
      %get3A_197 = arith.constant 32 : index
      %get3A_198 = tpu.vector_load %arg9[%get3A_196, %get3A_197] {strides = array<i32>} : memref<4x128xi32, #tpu.memory_space<vmem>>, vector<1x16xi32>,
      %get3A_199 = vector.shape_cast %get3A_198 : vector<1x16xi32> to vector<16xi32>
      %shift_right_logical3A_200 = arith.shrui %get3A_199, %broadcast_in_dim3A_11 : vector<16xi32>
      %and3A_201 = arith.andi %get3A_199, %broadcast_in_dim3A_13 : vector<16xi32>
      %and3A_202 = arith.andi %shift_right_logical3A_200, %broadcast_in_dim3A_17 : vector<16xi32>
      %add3A_203 = arith.addi %broadcast_in_dim3A_15, %and3A_202 : vector<16xi32>
      %eq3A_204 = arith.cmpi eq, %and3A_201, %sub3A : vector<16xi32>
      %select_n3A_205 = arith.select %eq3A_204, %shift_right_logical3A_200, %add3A_203 : vector<16xi1>, vector<16xi32>
      %swap3A_206 = arith.constant 160 : index
      %swap3A_207 = tpu.vector_load %arg11[%swap3A_206] {strides = array<i32>} : memref<512xi32, #tpu.memory_space<vmem>>, vector<16xi32>,
      %swap3A_208 = vector.shape_cast %swap3A_207 : vector<16xi32> to vector<16xi32>
      %swap3A_209 = vector.shape_cast %select_n3A_205 : vector<16xi32> to vector<16xi32>
      tpu.vector_store %arg11[%swap3A_206], %swap3A_209 {strides = array<i32>} : memref<512xi32, #tpu.memory_space<vmem>>, vector<16xi32>,
      %get3A_210 = arith.constant 1 : i32
      %get3A_211 = arith.index_cast %get3A_210 : i32 to index
      %get3A_212 = arith.constant 48 : index
      %get3A_213 = tpu.vector_load %arg9[%get3A_211, %get3A_212] {strides = array<i32>} : memref<4x128xi32, #tpu.memory_space<vmem>>, vector<1x16xi32>,
      %get3A_214 = vector.shape_cast %get3A_213 : vector<1x16xi32> to vector<16xi32>
      %shift_right_logical3A_215 = arith.shrui %get3A_214, %broadcast_in_dim3A_11 : vector<16xi32>
      %and3A_216 = arith.andi %get3A_214, %broadcast_in_dim3A_13 : vector<16xi32>
      %and3A_217 = arith.andi %shift_right_logical3A_215, %broadcast_in_dim3A_17 : vector<16xi32>
      %add3A_218 = arith.addi %broadcast_in_dim3A_15, %and3A_217 : vector<16xi32>
      %eq3A_219 = arith.cmpi eq, %and3A_216, %sub3A : vector<16xi32>
      %select_n3A_220 = arith.select %eq3A_219, %shift_right_logical3A_215, %add3A_218 : vector<16xi1>, vector<16xi32>
      %swap3A_221 = arith.constant 176 : index
      %swap3A_222 = tpu.vector_load %arg11[%swap3A_221] {strides = array<i32>} : memref<512xi32, #tpu.memory_space<vmem>>, vector<16xi32>,
      %swap3A_223 = vector.shape_cast %swap3A_222 : vector<16xi32> to vector<16xi32>
      %swap3A_224 = vector.shape_cast %select_n3A_220 : vector<16xi32> to vector<16xi32>
      tpu.vector_store %arg11[%swap3A_221], %swap3A_224 {strides = array<i32>} : memref<512xi32, #tpu.memory_space<vmem>>, vector<16xi32>,
      %get3A_225 = arith.constant 1 : i32
      %get3A_226 = arith.index_cast %get3A_225 : i32 to index
      %get3A_227 = arith.constant 64 : index
      %get3A_228 = tpu.vector_load %arg9[%get3A_226, %get3A_227] {strides = array<i32>} : memref<4x128xi32, #tpu.memory_space<vmem>>, vector<1x16xi32>,
      %get3A_229 = vector.shape_cast %get3A_228 : vector<1x16xi32> to vector<16xi32>
      %shift_right_logical3A_230 = arith.shrui %get3A_229, %broadcast_in_dim3A_11 : vector<16xi32>
      %and3A_231 = arith.andi %get3A_229, %broadcast_in_dim3A_13 : vector<16xi32>
      %and3A_232 = arith.andi %shift_right_logical3A_230, %broadcast_in_dim3A_17 : vector<16xi32>
      %add3A_233 = arith.addi %broadcast_in_dim3A_15, %and3A_232 : vector<16xi32>
      %eq3A_234 = arith.cmpi eq, %and3A_231, %sub3A : vector<16xi32>
      %select_n3A_235 = arith.select %eq3A_234, %shift_right_logical3A_230, %add3A_233 : vector<16xi1>, vector<16xi32>
      %swap3A_236 = arith.constant 192 : index
      %swap3A_237 = tpu.vector_load %arg11[%swap3A_236] {strides = array<i32>} : memref<512xi32, #tpu.memory_space<vmem>>, vector<16xi32>,
      %swap3A_238 = vector.shape_cast %swap3A_237 : vector<16xi32> to vector<16xi32>
      %swap3A_239 = vector.shape_cast %select_n3A_235 : vector<16xi32> to vector<16xi32>
      tpu.vector_store %arg11[%swap3A_236], %swap3A_239 {strides = array<i32>} : memref<512xi32, #tpu.memory_space<vmem>>, vector<16xi32>,
      %get3A_240 = arith.constant 1 : i32
      %get3A_241 = arith.index_cast %get3A_240 : i32 to index
      %get3A_242 = arith.constant 80 : index
      %get3A_243 = tpu.vector_load %arg9[%get3A_241, %get3A_242] {strides = array<i32>} : memref<4x128xi32, #tpu.memory_space<vmem>>, vector<1x16xi32>,
      %get3A_244 = vector.shape_cast %get3A_243 : vector<1x16xi32> to vector<16xi32>
      %shift_right_logical3A_245 = arith.shrui %get3A_244, %broadcast_in_dim3A_11 : vector<16xi32>
      %and3A_246 = arith.andi %get3A_244, %broadcast_in_dim3A_13 : vector<16xi32>
      %and3A_247 = arith.andi %shift_right_logical3A_245, %broadcast_in_dim3A_17 : vector<16xi32>
      %add3A_248 = arith.addi %broadcast_in_dim3A_15, %and3A_247 : vector<16xi32>
      %eq3A_249 = arith.cmpi eq, %and3A_246, %sub3A : vector<16xi32>
      %select_n3A_250 = arith.select %eq3A_249, %shift_right_logical3A_245, %add3A_248 : vector<16xi1>, vector<16xi32>
      %swap3A_251 = arith.constant 208 : index
      %swap3A_252 = tpu.vector_load %arg11[%swap3A_251] {strides = array<i32>} : memref<512xi32, #tpu.memory_space<vmem>>, vector<16xi32>,
      %swap3A_253 = vector.shape_cast %swap3A_252 : vector<16xi32> to vector<16xi32>
      %swap3A_254 = vector.shape_cast %select_n3A_250 : vector<16xi32> to vector<16xi32>
      tpu.vector_store %arg11[%swap3A_251], %swap3A_254 {strides = array<i32>} : memref<512xi32, #tpu.memory_space<vmem>>, vector<16xi32>,
      %get3A_255 = arith.constant 1 : i32
      %get3A_256 = arith.index_cast %get3A_255 : i32 to index
      %get3A_257 = arith.constant 96 : index
      %get3A_258 = tpu.vector_load %arg9[%get3A_256, %get3A_257] {strides = array<i32>} : memref<4x128xi32, #tpu.memory_space<vmem>>, vector<1x16xi32>,
      %get3A_259 = vector.shape_cast %get3A_258 : vector<1x16xi32> to vector<16xi32>
      %shift_right_logical3A_260 = arith.shrui %get3A_259, %broadcast_in_dim3A_11 : vector<16xi32>
      %and3A_261 = arith.andi %get3A_259, %broadcast_in_dim3A_13 : vector<16xi32>
      %and3A_262 = arith.andi %shift_right_logical3A_260, %broadcast_in_dim3A_17 : vector<16xi32>
      %add3A_263 = arith.addi %broadcast_in_dim3A_15, %and3A_262 : vector<16xi32>
      %eq3A_264 = arith.cmpi eq, %and3A_261, %sub3A : vector<16xi32>
      %select_n3A_265 = arith.select %eq3A_264, %shift_right_logical3A_260, %add3A_263 : vector<16xi1>, vector<16xi32>
      %swap3A_266 = arith.constant 224 : index
      %swap3A_267 = tpu.vector_load %arg11[%swap3A_266] {strides = array<i32>} : memref<512xi32, #tpu.memory_space<vmem>>, vector<16xi32>,
      %swap3A_268 = vector.shape_cast %swap3A_267 : vector<16xi32> to vector<16xi32>
      %swap3A_269 = vector.shape_cast %select_n3A_265 : vector<16xi32> to vector<16xi32>
      tpu.vector_store %arg11[%swap3A_266], %swap3A_269 {strides = array<i32>} : memref<512xi32, #tpu.memory_space<vmem>>, vector<16xi32>,
      %get3A_270 = arith.constant 1 : i32
      %get3A_271 = arith.index_cast %get3A_270 : i32 to index
      %get3A_272 = arith.constant 112 : index
      %get3A_273 = tpu.vector_load %arg9[%get3A_271, %get3A_272] {strides = array<i32>} : memref<4x128xi32, #tpu.memory_space<vmem>>, vector<1x16xi32>,
      %get3A_274 = vector.shape_cast %get3A_273 : vector<1x16xi32> to vector<16xi32>
      %shift_right_logical3A_275 = arith.shrui %get3A_274, %broadcast_in_dim3A_11 : vector<16xi32>
      %and3A_276 = arith.andi %get3A_274, %broadcast_in_dim3A_13 : vector<16xi32>
      %and3A_277 = arith.andi %shift_right_logical3A_275, %broadcast_in_dim3A_17 : vector<16xi32>
      %add3A_278 = arith.addi %broadcast_in_dim3A_15, %and3A_277 : vector<16xi32>
      %eq3A_279 = arith.cmpi eq, %and3A_276, %sub3A : vector<16xi32>
      %select_n3A_280 = arith.select %eq3A_279, %shift_right_logical3A_275, %add3A_278 : vector<16xi1>, vector<16xi32>
      %swap3A_281 = arith.constant 240 : index
      %swap3A_282 = tpu.vector_load %arg11[%swap3A_281] {strides = array<i32>} : memref<512xi32, #tpu.memory_space<vmem>>, vector<16xi32>,
      %swap3A_283 = vector.shape_cast %swap3A_282 : vector<16xi32> to vector<16xi32>
      %swap3A_284 = vector.shape_cast %select_n3A_280 : vector<16xi32> to vector<16xi32>
      tpu.vector_store %arg11[%swap3A_281], %swap3A_284 {strides = array<i32>} : memref<512xi32, #tpu.memory_space<vmem>>, vector<16xi32>,
      %get3A_285 = arith.constant 2 : i32
      %get3A_286 = arith.index_cast %get3A_285 : i32 to index
      %get3A_287 = arith.constant 0 : index
      %get3A_288 = tpu.vector_load %arg9[%get3A_286, %get3A_287] {strides = array<i32>} : memref<4x128xi32, #tpu.memory_space<vmem>>, vector<1x16xi32>,
      %get3A_289 = vector.shape_cast %get3A_288 : vector<1x16xi32> to vector<16xi32>
      %shift_right_logical3A_290 = arith.shrui %get3A_289, %broadcast_in_dim3A_11 : vector<16xi32>
      %and3A_291 = arith.andi %get3A_289, %broadcast_in_dim3A_13 : vector<16xi32>
      %and3A_292 = arith.andi %shift_right_logical3A_290, %broadcast_in_dim3A_17 : vector<16xi32>
      %add3A_293 = arith.addi %broadcast_in_dim3A_15, %and3A_292 : vector<16xi32>
      %eq3A_294 = arith.cmpi eq, %and3A_291, %sub3A : vector<16xi32>
      %select_n3A_295 = arith.select %eq3A_294, %shift_right_logical3A_290, %add3A_293 : vector<16xi1>, vector<16xi32>
      %swap3A_296 = arith.constant 256 : index
      %swap3A_297 = tpu.vector_load %arg11[%swap3A_296] {strides = array<i32>} : memref<512xi32, #tpu.memory_space<vmem>>, vector<16xi32>,
      %swap3A_298 = vector.shape_cast %swap3A_297 : vector<16xi32> to vector<16xi32>
      %swap3A_299 = vector.shape_cast %select_n3A_295 : vector<16xi32> to vector<16xi32>
      tpu.vector_store %arg11[%swap3A_296], %swap3A_299 {strides = array<i32>} : memref<512xi32, #tpu.memory_space<vmem>>, vector<16xi32>,
      %get3A_300 = arith.constant 2 : i32
      %get3A_301 = arith.index_cast %get3A_300 : i32 to index
      %get3A_302 = arith.constant 16 : index
      %get3A_303 = tpu.vector_load %arg9[%get3A_301, %get3A_302] {strides = array<i32>} : memref<4x128xi32, #tpu.memory_space<vmem>>, vector<1x16xi32>,
      %get3A_304 = vector.shape_cast %get3A_303 : vector<1x16xi32> to vector<16xi32>
      %shift_right_logical3A_305 = arith.shrui %get3A_304, %broadcast_in_dim3A_11 : vector<16xi32>
      %and3A_306 = arith.andi %get3A_304, %broadcast_in_dim3A_13 : vector<16xi32>
      %and3A_307 = arith.andi %shift_right_logical3A_305, %broadcast_in_dim3A_17 : vector<16xi32>
      %add3A_308 = arith.addi %broadcast_in_dim3A_15, %and3A_307 : vector<16xi32>
      %eq3A_309 = arith.cmpi eq, %and3A_306, %sub3A : vector<16xi32>
      %select_n3A_310 = arith.select %eq3A_309, %shift_right_logical3A_305, %add3A_308 : vector<16xi1>, vector<16xi32>
      %swap3A_311 = arith.constant 272 : index
      %swap3A_312 = tpu.vector_load %arg11[%swap3A_311] {strides = array<i32>} : memref<512xi32, #tpu.memory_space<vmem>>, vector<16xi32>,
      %swap3A_313 = vector.shape_cast %swap3A_312 : vector<16xi32> to vector<16xi32>
      %swap3A_314 = vector.shape_cast %select_n3A_310 : vector<16xi32> to vector<16xi32>
      tpu.vector_store %arg11[%swap3A_311], %swap3A_314 {strides = array<i32>} : memref<512xi32, #tpu.memory_space<vmem>>, vector<16xi32>,
      %get3A_315 = arith.constant 2 : i32
      %get3A_316 = arith.index_cast %get3A_315 : i32 to index
      %get3A_317 = arith.constant 32 : index
      %get3A_318 = tpu.vector_load %arg9[%get3A_316, %get3A_317] {strides = array<i32>} : memref<4x128xi32, #tpu.memory_space<vmem>>, vector<1x16xi32>,
      %get3A_319 = vector.shape_cast %get3A_318 : vector<1x16xi32> to vector<16xi32>
      %shift_right_logical3A_320 = arith.shrui %get3A_319, %broadcast_in_dim3A_11 : vector<16xi32>
      %and3A_321 = arith.andi %get3A_319, %broadcast_in_dim3A_13 : vector<16xi32>
      %and3A_322 = arith.andi %shift_right_logical3A_320, %broadcast_in_dim3A_17 : vector<16xi32>
      %add3A_323 = arith.addi %broadcast_in_dim3A_15, %and3A_322 : vector<16xi32>
      %eq3A_324 = arith.cmpi eq, %and3A_321, %sub3A : vector<16xi32>
      %select_n3A_325 = arith.select %eq3A_324, %shift_right_logical3A_320, %add3A_323 : vector<16xi1>, vector<16xi32>
      %swap3A_326 = arith.constant 288 : index
      %swap3A_327 = tpu.vector_load %arg11[%swap3A_326] {strides = array<i32>} : memref<512xi32, #tpu.memory_space<vmem>>, vector<16xi32>,
      %swap3A_328 = vector.shape_cast %swap3A_327 : vector<16xi32> to vector<16xi32>
      %swap3A_329 = vector.shape_cast %select_n3A_325 : vector<16xi32> to vector<16xi32>
      tpu.vector_store %arg11[%swap3A_326], %swap3A_329 {strides = array<i32>} : memref<512xi32, #tpu.memory_space<vmem>>, vector<16xi32>,
      %get3A_330 = arith.constant 2 : i32
      %get3A_331 = arith.index_cast %get3A_330 : i32 to index
      %get3A_332 = arith.constant 48 : index
      %get3A_333 = tpu.vector_load %arg9[%get3A_331, %get3A_332] {strides = array<i32>} : memref<4x128xi32, #tpu.memory_space<vmem>>, vector<1x16xi32>,
      %get3A_334 = vector.shape_cast %get3A_333 : vector<1x16xi32> to vector<16xi32>
      %shift_right_logical3A_335 = arith.shrui %get3A_334, %broadcast_in_dim3A_11 : vector<16xi32>
      %and3A_336 = arith.andi %get3A_334, %broadcast_in_dim3A_13 : vector<16xi32>
      %and3A_337 = arith.andi %shift_right_logical3A_335, %broadcast_in_dim3A_17 : vector<16xi32>
      %add3A_338 = arith.addi %broadcast_in_dim3A_15, %and3A_337 : vector<16xi32>
      %eq3A_339 = arith.cmpi eq, %and3A_336, %sub3A : vector<16xi32>
      %select_n3A_340 = arith.select %eq3A_339, %shift_right_logical3A_335, %add3A_338 : vector<16xi1>, vector<16xi32>
      %swap3A_341 = arith.constant 304 : index
      %swap3A_342 = tpu.vector_load %arg11[%swap3A_341] {strides = array<i32>} : memref<512xi32, #tpu.memory_space<vmem>>, vector<16xi32>,
      %swap3A_343 = vector.shape_cast %swap3A_342 : vector<16xi32> to vector<16xi32>
      %swap3A_344 = vector.shape_cast %select_n3A_340 : vector<16xi32> to vector<16xi32>
      tpu.vector_store %arg11[%swap3A_341], %swap3A_344 {strides = array<i32>} : memref<512xi32, #tpu.memory_space<vmem>>, vector<16xi32>,
      %get3A_345 = arith.constant 2 : i32
      %get3A_346 = arith.index_cast %get3A_345 : i32 to index
      %get3A_347 = arith.constant 64 : index
      %get3A_348 = tpu.vector_load %arg9[%get3A_346, %get3A_347] {strides = array<i32>} : memref<4x128xi32, #tpu.memory_space<vmem>>, vector<1x16xi32>,
      %get3A_349 = vector.shape_cast %get3A_348 : vector<1x16xi32> to vector<16xi32>
      %shift_right_logical3A_350 = arith.shrui %get3A_349, %broadcast_in_dim3A_11 : vector<16xi32>
      %and3A_351 = arith.andi %get3A_349, %broadcast_in_dim3A_13 : vector<16xi32>
      %and3A_352 = arith.andi %shift_right_logical3A_350, %broadcast_in_dim3A_17 : vector<16xi32>
      %add3A_353 = arith.addi %broadcast_in_dim3A_15, %and3A_352 : vector<16xi32>
      %eq3A_354 = arith.cmpi eq, %and3A_351, %sub3A : vector<16xi32>
      %select_n3A_355 = arith.select %eq3A_354, %shift_right_logical3A_350, %add3A_353 : vector<16xi1>, vector<16xi32>
      %swap3A_356 = arith.constant 320 : index
      %swap3A_357 = tpu.vector_load %arg11[%swap3A_356] {strides = array<i32>} : memref<512xi32, #tpu.memory_space<vmem>>, vector<16xi32>,
      %swap3A_358 = vector.shape_cast %swap3A_357 : vector<16xi32> to vector<16xi32>
      %swap3A_359 = vector.shape_cast %select_n3A_355 : vector<16xi32> to vector<16xi32>
      tpu.vector_store %arg11[%swap3A_356], %swap3A_359 {strides = array<i32>} : memref<512xi32, #tpu.memory_space<vmem>>, vector<16xi32>,
      %get3A_360 = arith.constant 2 : i32
      %get3A_361 = arith.index_cast %get3A_360 : i32 to index
      %get3A_362 = arith.constant 80 : index
      %get3A_363 = tpu.vector_load %arg9[%get3A_361, %get3A_362] {strides = array<i32>} : memref<4x128xi32, #tpu.memory_space<vmem>>, vector<1x16xi32>,
      %get3A_364 = vector.shape_cast %get3A_363 : vector<1x16xi32> to vector<16xi32>
      %shift_right_logical3A_365 = arith.shrui %get3A_364, %broadcast_in_dim3A_11 : vector<16xi32>
      %and3A_366 = arith.andi %get3A_364, %broadcast_in_dim3A_13 : vector<16xi32>
      %and3A_367 = arith.andi %shift_right_logical3A_365, %broadcast_in_dim3A_17 : vector<16xi32>
      %add3A_368 = arith.addi %broadcast_in_dim3A_15, %and3A_367 : vector<16xi32>
      %eq3A_369 = arith.cmpi eq, %and3A_366, %sub3A : vector<16xi32>
      %select_n3A_370 = arith.select %eq3A_369, %shift_right_logical3A_365, %add3A_368 : vector<16xi1>, vector<16xi32>
      %swap3A_371 = arith.constant 336 : index
      %swap3A_372 = tpu.vector_load %arg11[%swap3A_371] {strides = array<i32>} : memref<512xi32, #tpu.memory_space<vmem>>, vector<16xi32>,
      %swap3A_373 = vector.shape_cast %swap3A_372 : vector<16xi32> to vector<16xi32>
      %swap3A_374 = vector.shape_cast %select_n3A_370 : vector<16xi32> to vector<16xi32>
      tpu.vector_store %arg11[%swap3A_371], %swap3A_374 {strides = array<i32>} : memref<512xi32, #tpu.memory_space<vmem>>, vector<16xi32>,
      %get3A_375 = arith.constant 2 : i32
      %get3A_376 = arith.index_cast %get3A_375 : i32 to index
      %get3A_377 = arith.constant 96 : index
      %get3A_378 = tpu.vector_load %arg9[%get3A_376, %get3A_377] {strides = array<i32>} : memref<4x128xi32, #tpu.memory_space<vmem>>, vector<1x16xi32>,
      %get3A_379 = vector.shape_cast %get3A_378 : vector<1x16xi32> to vector<16xi32>
      %shift_right_logical3A_380 = arith.shrui %get3A_379, %broadcast_in_dim3A_11 : vector<16xi32>
      %and3A_381 = arith.andi %get3A_379, %broadcast_in_dim3A_13 : vector<16xi32>
      %and3A_382 = arith.andi %shift_right_logical3A_380, %broadcast_in_dim3A_17 : vector<16xi32>
      %add3A_383 = arith.addi %broadcast_in_dim3A_15, %and3A_382 : vector<16xi32>
      %eq3A_384 = arith.cmpi eq, %and3A_381, %sub3A : vector<16xi32>
      %select_n3A_385 = arith.select %eq3A_384, %shift_right_logical3A_380, %add3A_383 : vector<16xi1>, vector<16xi32>
      %swap3A_386 = arith.constant 352 : index
      %swap3A_387 = tpu.vector_load %arg11[%swap3A_386] {strides = array<i32>} : memref<512xi32, #tpu.memory_space<vmem>>, vector<16xi32>,
      %swap3A_388 = vector.shape_cast %swap3A_387 : vector<16xi32> to vector<16xi32>
      %swap3A_389 = vector.shape_cast %select_n3A_385 : vector<16xi32> to vector<16xi32>
      tpu.vector_store %arg11[%swap3A_386], %swap3A_389 {strides = array<i32>} : memref<512xi32, #tpu.memory_space<vmem>>, vector<16xi32>,
      %get3A_390 = arith.constant 2 : i32
      %get3A_391 = arith.index_cast %get3A_390 : i32 to index
      %get3A_392 = arith.constant 112 : index
      %get3A_393 = tpu.vector_load %arg9[%get3A_391, %get3A_392] {strides = array<i32>} : memref<4x128xi32, #tpu.memory_space<vmem>>, vector<1x16xi32>,
      %get3A_394 = vector.shape_cast %get3A_393 : vector<1x16xi32> to vector<16xi32>
      %shift_right_logical3A_395 = arith.shrui %get3A_394, %broadcast_in_dim3A_11 : vector<16xi32>
      %and3A_396 = arith.andi %get3A_394, %broadcast_in_dim3A_13 : vector<16xi32>
      %and3A_397 = arith.andi %shift_right_logical3A_395, %broadcast_in_dim3A_17 : vector<16xi32>
      %add3A_398 = arith.addi %broadcast_in_dim3A_15, %and3A_397 : vector<16xi32>
      %eq3A_399 = arith.cmpi eq, %and3A_396, %sub3A : vector<16xi32>
      %select_n3A_400 = arith.select %eq3A_399, %shift_right_logical3A_395, %add3A_398 : vector<16xi1>, vector<16xi32>
      %swap3A_401 = arith.constant 368 : index
      %swap3A_402 = tpu.vector_load %arg11[%swap3A_401] {strides = array<i32>} : memref<512xi32, #tpu.memory_space<vmem>>, vector<16xi32>,
      %swap3A_403 = vector.shape_cast %swap3A_402 : vector<16xi32> to vector<16xi32>
      %swap3A_404 = vector.shape_cast %select_n3A_400 : vector<16xi32> to vector<16xi32>
      tpu.vector_store %arg11[%swap3A_401], %swap3A_404 {strides = array<i32>} : memref<512xi32, #tpu.memory_space<vmem>>, vector<16xi32>,
      %get3A_405 = arith.constant 3 : i32
      %get3A_406 = arith.index_cast %get3A_405 : i32 to index
      %get3A_407 = arith.constant 0 : index
      %get3A_408 = tpu.vector_load %arg9[%get3A_406, %get3A_407] {strides = array<i32>} : memref<4x128xi32, #tpu.memory_space<vmem>>, vector<1x16xi32>,
      %get3A_409 = vector.shape_cast %get3A_408 : vector<1x16xi32> to vector<16xi32>
      %shift_right_logical3A_410 = arith.shrui %get3A_409, %broadcast_in_dim3A_11 : vector<16xi32>
      %and3A_411 = arith.andi %get3A_409, %broadcast_in_dim3A_13 : vector<16xi32>
      %and3A_412 = arith.andi %shift_right_logical3A_410, %broadcast_in_dim3A_17 : vector<16xi32>
      %add3A_413 = arith.addi %broadcast_in_dim3A_15, %and3A_412 : vector<16xi32>
      %eq3A_414 = arith.cmpi eq, %and3A_411, %sub3A : vector<16xi32>
      %select_n3A_415 = arith.select %eq3A_414, %shift_right_logical3A_410, %add3A_413 : vector<16xi1>, vector<16xi32>
      %swap3A_416 = arith.constant 384 : index
      %swap3A_417 = tpu.vector_load %arg11[%swap3A_416] {strides = array<i32>} : memref<512xi32, #tpu.memory_space<vmem>>, vector<16xi32>,
      %swap3A_418 = vector.shape_cast %swap3A_417 : vector<16xi32> to vector<16xi32>
      %swap3A_419 = vector.shape_cast %select_n3A_415 : vector<16xi32> to vector<16xi32>
      tpu.vector_store %arg11[%swap3A_416], %swap3A_419 {strides = array<i32>} : memref<512xi32, #tpu.memory_space<vmem>>, vector<16xi32>,
      %get3A_420 = arith.constant 3 : i32
      %get3A_421 = arith.index_cast %get3A_420 : i32 to index
      %get3A_422 = arith.constant 16 : index
      %get3A_423 = tpu.vector_load %arg9[%get3A_421, %get3A_422] {strides = array<i32>} : memref<4x128xi32, #tpu.memory_space<vmem>>, vector<1x16xi32>,
      %get3A_424 = vector.shape_cast %get3A_423 : vector<1x16xi32> to vector<16xi32>
      %shift_right_logical3A_425 = arith.shrui %get3A_424, %broadcast_in_dim3A_11 : vector<16xi32>
      %and3A_426 = arith.andi %get3A_424, %broadcast_in_dim3A_13 : vector<16xi32>
      %and3A_427 = arith.andi %shift_right_logical3A_425, %broadcast_in_dim3A_17 : vector<16xi32>
      %add3A_428 = arith.addi %broadcast_in_dim3A_15, %and3A_427 : vector<16xi32>
      %eq3A_429 = arith.cmpi eq, %and3A_426, %sub3A : vector<16xi32>
      %select_n3A_430 = arith.select %eq3A_429, %shift_right_logical3A_425, %add3A_428 : vector<16xi1>, vector<16xi32>
      %swap3A_431 = arith.constant 400 : index
      %swap3A_432 = tpu.vector_load %arg11[%swap3A_431] {strides = array<i32>} : memref<512xi32, #tpu.memory_space<vmem>>, vector<16xi32>,
      %swap3A_433 = vector.shape_cast %swap3A_432 : vector<16xi32> to vector<16xi32>
      %swap3A_434 = vector.shape_cast %select_n3A_430 : vector<16xi32> to vector<16xi32>
      tpu.vector_store %arg11[%swap3A_431], %swap3A_434 {strides = array<i32>} : memref<512xi32, #tpu.memory_space<vmem>>, vector<16xi32>,
      %get3A_435 = arith.constant 3 : i32
      %get3A_436 = arith.index_cast %get3A_435 : i32 to index
      %get3A_437 = arith.constant 32 : index
      %get3A_438 = tpu.vector_load %arg9[%get3A_436, %get3A_437] {strides = array<i32>} : memref<4x128xi32, #tpu.memory_space<vmem>>, vector<1x16xi32>,
      %get3A_439 = vector.shape_cast %get3A_438 : vector<1x16xi32> to vector<16xi32>
      %shift_right_logical3A_440 = arith.shrui %get3A_439, %broadcast_in_dim3A_11 : vector<16xi32>
      %and3A_441 = arith.andi %get3A_439, %broadcast_in_dim3A_13 : vector<16xi32>
      %and3A_442 = arith.andi %shift_right_logical3A_440, %broadcast_in_dim3A_17 : vector<16xi32>
      %add3A_443 = arith.addi %broadcast_in_dim3A_15, %and3A_442 : vector<16xi32>
      %eq3A_444 = arith.cmpi eq, %and3A_441, %sub3A : vector<16xi32>
      %select_n3A_445 = arith.select %eq3A_444, %shift_right_logical3A_440, %add3A_443 : vector<16xi1>, vector<16xi32>
      %swap3A_446 = arith.constant 416 : index
      %swap3A_447 = tpu.vector_load %arg11[%swap3A_446] {strides = array<i32>} : memref<512xi32, #tpu.memory_space<vmem>>, vector<16xi32>,
      %swap3A_448 = vector.shape_cast %swap3A_447 : vector<16xi32> to vector<16xi32>
      %swap3A_449 = vector.shape_cast %select_n3A_445 : vector<16xi32> to vector<16xi32>
      tpu.vector_store %arg11[%swap3A_446], %swap3A_449 {strides = array<i32>} : memref<512xi32, #tpu.memory_space<vmem>>, vector<16xi32>,
      %get3A_450 = arith.constant 3 : i32
      %get3A_451 = arith.index_cast %get3A_450 : i32 to index
      %get3A_452 = arith.constant 48 : index
      %get3A_453 = tpu.vector_load %arg9[%get3A_451, %get3A_452] {strides = array<i32>} : memref<4x128xi32, #tpu.memory_space<vmem>>, vector<1x16xi32>,
      %get3A_454 = vector.shape_cast %get3A_453 : vector<1x16xi32> to vector<16xi32>
      %shift_right_logical3A_455 = arith.shrui %get3A_454, %broadcast_in_dim3A_11 : vector<16xi32>
      %and3A_456 = arith.andi %get3A_454, %broadcast_in_dim3A_13 : vector<16xi32>
      %and3A_457 = arith.andi %shift_right_logical3A_455, %broadcast_in_dim3A_17 : vector<16xi32>
      %add3A_458 = arith.addi %broadcast_in_dim3A_15, %and3A_457 : vector<16xi32>
      %eq3A_459 = arith.cmpi eq, %and3A_456, %sub3A : vector<16xi32>
      %select_n3A_460 = arith.select %eq3A_459, %shift_right_logical3A_455, %add3A_458 : vector<16xi1>, vector<16xi32>
      %swap3A_461 = arith.constant 432 : index
      %swap3A_462 = tpu.vector_load %arg11[%swap3A_461] {strides = array<i32>} : memref<512xi32, #tpu.memory_space<vmem>>, vector<16xi32>,
      %swap3A_463 = vector.shape_cast %swap3A_462 : vector<16xi32> to vector<16xi32>
      %swap3A_464 = vector.shape_cast %select_n3A_460 : vector<16xi32> to vector<16xi32>
      tpu.vector_store %arg11[%swap3A_461], %swap3A_464 {strides = array<i32>} : memref<512xi32, #tpu.memory_space<vmem>>, vector<16xi32>,
      %get3A_465 = arith.constant 3 : i32
      %get3A_466 = arith.index_cast %get3A_465 : i32 to index
      %get3A_467 = arith.constant 64 : index
      %get3A_468 = tpu.vector_load %arg9[%get3A_466, %get3A_467] {strides = array<i32>} : memref<4x128xi32, #tpu.memory_space<vmem>>, vector<1x16xi32>,
      %get3A_469 = vector.shape_cast %get3A_468 : vector<1x16xi32> to vector<16xi32>
      %shift_right_logical3A_470 = arith.shrui %get3A_469, %broadcast_in_dim3A_11 : vector<16xi32>
      %and3A_471 = arith.andi %get3A_469, %broadcast_in_dim3A_13 : vector<16xi32>
      %and3A_472 = arith.andi %shift_right_logical3A_470, %broadcast_in_dim3A_17 : vector<16xi32>
      %add3A_473 = arith.addi %broadcast_in_dim3A_15, %and3A_472 : vector<16xi32>
      %eq3A_474 = arith.cmpi eq, %and3A_471, %sub3A : vector<16xi32>
      %select_n3A_475 = arith.select %eq3A_474, %shift_right_logical3A_470, %add3A_473 : vector<16xi1>, vector<16xi32>
      %swap3A_476 = arith.constant 448 : index
      %swap3A_477 = tpu.vector_load %arg11[%swap3A_476] {strides = array<i32>} : memref<512xi32, #tpu.memory_space<vmem>>, vector<16xi32>,
      %swap3A_478 = vector.shape_cast %swap3A_477 : vector<16xi32> to vector<16xi32>
      %swap3A_479 = vector.shape_cast %select_n3A_475 : vector<16xi32> to vector<16xi32>
      tpu.vector_store %arg11[%swap3A_476], %swap3A_479 {strides = array<i32>} : memref<512xi32, #tpu.memory_space<vmem>>, vector<16xi32>,
      %get3A_480 = arith.constant 3 : i32
      %get3A_481 = arith.index_cast %get3A_480 : i32 to index
      %get3A_482 = arith.constant 80 : index
      %get3A_483 = tpu.vector_load %arg9[%get3A_481, %get3A_482] {strides = array<i32>} : memref<4x128xi32, #tpu.memory_space<vmem>>, vector<1x16xi32>,
      %get3A_484 = vector.shape_cast %get3A_483 : vector<1x16xi32> to vector<16xi32>
      %shift_right_logical3A_485 = arith.shrui %get3A_484, %broadcast_in_dim3A_11 : vector<16xi32>
      %and3A_486 = arith.andi %get3A_484, %broadcast_in_dim3A_13 : vector<16xi32>
      %and3A_487 = arith.andi %shift_right_logical3A_485, %broadcast_in_dim3A_17 : vector<16xi32>
      %add3A_488 = arith.addi %broadcast_in_dim3A_15, %and3A_487 : vector<16xi32>
      %eq3A_489 = arith.cmpi eq, %and3A_486, %sub3A : vector<16xi32>
      %select_n3A_490 = arith.select %eq3A_489, %shift_right_logical3A_485, %add3A_488 : vector<16xi1>, vector<16xi32>
      %swap3A_491 = arith.constant 464 : index
      %swap3A_492 = tpu.vector_load %arg11[%swap3A_491] {strides = array<i32>} : memref<512xi32, #tpu.memory_space<vmem>>, vector<16xi32>,
      %swap3A_493 = vector.shape_cast %swap3A_492 : vector<16xi32> to vector<16xi32>
      %swap3A_494 = vector.shape_cast %select_n3A_490 : vector<16xi32> to vector<16xi32>
      tpu.vector_store %arg11[%swap3A_491], %swap3A_494 {strides = array<i32>} : memref<512xi32, #tpu.memory_space<vmem>>, vector<16xi32>,
      %get3A_495 = arith.constant 3 : i32
      %get3A_496 = arith.index_cast %get3A_495 : i32 to index
      %get3A_497 = arith.constant 96 : index
      %get3A_498 = tpu.vector_load %arg9[%get3A_496, %get3A_497] {strides = array<i32>} : memref<4x128xi32, #tpu.memory_space<vmem>>, vector<1x16xi32>,
      %get3A_499 = vector.shape_cast %get3A_498 : vector<1x16xi32> to vector<16xi32>
      %shift_right_logical3A_500 = arith.shrui %get3A_499, %broadcast_in_dim3A_11 : vector<16xi32>
      %and3A_501 = arith.andi %get3A_499, %broadcast_in_dim3A_13 : vector<16xi32>
      %and3A_502 = arith.andi %shift_right_logical3A_500, %broadcast_in_dim3A_17 : vector<16xi32>
      %add3A_503 = arith.addi %broadcast_in_dim3A_15, %and3A_502 : vector<16xi32>
      %eq3A_504 = arith.cmpi eq, %and3A_501, %sub3A : vector<16xi32>
      %select_n3A_505 = arith.select %eq3A_504, %shift_right_logical3A_500, %add3A_503 : vector<16xi1>, vector<16xi32>
      %swap3A_506 = arith.constant 480 : index
      %swap3A_507 = tpu.vector_load %arg11[%swap3A_506] {strides = array<i32>} : memref<512xi32, #tpu.memory_space<vmem>>, vector<16xi32>,
      %swap3A_508 = vector.shape_cast %swap3A_507 : vector<16xi32> to vector<16xi32>
      %swap3A_509 = vector.shape_cast %select_n3A_505 : vector<16xi32> to vector<16xi32>
      tpu.vector_store %arg11[%swap3A_506], %swap3A_509 {strides = array<i32>} : memref<512xi32, #tpu.memory_space<vmem>>, vector<16xi32>,
      %get3A_510 = arith.constant 3 : i32
      %get3A_511 = arith.index_cast %get3A_510 : i32 to index
      %get3A_512 = arith.constant 112 : index
      %get3A_513 = tpu.vector_load %arg9[%get3A_511, %get3A_512] {strides = array<i32>} : memref<4x128xi32, #tpu.memory_space<vmem>>, vector<1x16xi32>,
      %get3A_514 = vector.shape_cast %get3A_513 : vector<1x16xi32> to vector<16xi32>
      %shift_right_logical3A_515 = arith.shrui %get3A_514, %broadcast_in_dim3A_11 : vector<16xi32>
      %and3A_516 = arith.andi %get3A_514, %broadcast_in_dim3A_13 : vector<16xi32>
      %and3A_517 = arith.andi %shift_right_logical3A_515, %broadcast_in_dim3A_17 : vector<16xi32>
      %add3A_518 = arith.addi %broadcast_in_dim3A_15, %and3A_517 : vector<16xi32>
      %eq3A_519 = arith.cmpi eq, %and3A_516, %sub3A : vector<16xi32>
      %select_n3A_520 = arith.select %eq3A_519, %shift_right_logical3A_515, %add3A_518 : vector<16xi1>, vector<16xi32>
      %swap3A_521 = arith.constant 496 : index
      %swap3A_522 = tpu.vector_load %arg11[%swap3A_521] {strides = array<i32>} : memref<512xi32, #tpu.memory_space<vmem>>, vector<16xi32>,
      %swap3A_523 = vector.shape_cast %swap3A_522 : vector<16xi32> to vector<16xi32>
      %swap3A_524 = vector.shape_cast %select_n3A_520 : vector<16xi32> to vector<16xi32>
      tpu.vector_store %arg11[%swap3A_521], %swap3A_524 {strides = array<i32>} : memref<512xi32, #tpu.memory_space<vmem>>, vector<16xi32>,
      %dma_start3A_525 = arith.constant 0 : i32
      %dma_start3A_526 = tpu.memref_slice %arg14[%dma_start3A_525] : memref<2049040xf32, #tpu.memory_space<vmem_shared>> -> memref<2049040xf32, #tpu.memory_space<vmem_shared>>
      tpu.enqueue_indirect_dma source(%arg13 : memref<512xf32, #tpu.memory_space<vmem>>) target(%dma_start3A_526 : memref<2049040xf32, #tpu.memory_space<vmem_shared>>) offsets(%arg11 : memref<512xi32, #tpu.memory_space<vmem>>) semaphore(%arg17 : memref<!tpu.dma_semaphore, #tpu.memory_space<semaphore_mem>>) {add = true}
      %add3A_527 = arith.constant 1 : i32
      %add3A_528 = arith.addi %mul3A_33, %add3A_527 : i32
      %mul3A_529 = arith.constant 4 : i32
      %mul3A_530 = arith.muli %add3A_528, %mul3A_529 : i32
      %dma_wait3A_531 = arith.constant 0 : i32
      %dma_wait3A_532 = tpu.memref_slice %arg2[%arg1, %mul3A_530, %dma_wait3A_531] : memref<16x80x128xi32, #tpu.memory_space<hbm>> -> memref<1x4x128xi32, #tpu.memory_space<hbm>>
      %dma_wait3A_533 = tpu.memref_squeeze %dma_wait3A_532 : memref<1x4x128xi32, #tpu.memory_space<hbm>> -> memref<4x128xi32, #tpu.memory_space<hbm>>
      %dma_wait3A_534 = arith.constant 0 : i32
      %dma_wait3A_535 = tpu.memref_slice %arg2[%arg1, %mul3A_530, %dma_wait3A_534] : memref<16x80x128xi32, #tpu.memory_space<hbm>> -> memref<1x4x128xi32, #tpu.memory_space<hbm>>
      %dma_wait3A_536 = tpu.memref_squeeze %dma_wait3A_535 : memref<1x4x128xi32, #tpu.memory_space<hbm>> -> memref<4x128xi32, #tpu.memory_space<hbm>>
      tpu.wait_dma2 semaphore(%arg16 : memref<!tpu.dma_semaphore, #tpu.memory_space<semaphore_mem>>) src(%dma_wait3A_536 : memref<4x128xi32, #tpu.memory_space<hbm>>) dst(%arg10 : memref<4x128xi32, #tpu.memory_space<vmem>>)
      %add3A_537 = arith.constant 2 : i32
      %add3A_538 = arith.addi %mul3A_33, %add3A_537 : i32
      %lt3A = arith.constant 20 : i32
      %lt3A_539 = arith.cmpi slt, %add3A_538, %lt3A : i32
      %convert_element_type3A_540 = arith.extui %lt3A_539 : i1 to i32
      %cond3A_541 = arith.constant 0 : i32
      %cond3A_542 = arith.cmpi ne, %convert_element_type3A_540, %cond3A_541 : i32
      scf.if %cond3A_542 {
        %add3A_1029 = arith.constant 2 : i32
        %add3A_1030 = arith.addi %mul3A_33, %add3A_1029 : i32
        %mul3A_1031 = arith.constant 4 : i32
        %mul3A_1032 = arith.muli %add3A_1030, %mul3A_1031 : i32
        %dma_start3A_1033 = arith.constant 0 : i32
        %dma_start3A_1034 = tpu.memref_slice %arg2[%arg1, %mul3A_1032, %dma_start3A_1033] : memref<16x80x128xi32, #tpu.memory_space<hbm>> -> memref<1x4x128xi32, #tpu.memory_space<hbm>>
        %dma_start3A_1035 = tpu.memref_squeeze %dma_start3A_1034 : memref<1x4x128xi32, #tpu.memory_space<hbm>> -> memref<4x128xi32, #tpu.memory_space<hbm>>
        %dma_start3A_1036 = arith.constant 0 : i32
        %dma_start3A_1037 = tpu.memref_slice %arg2[%arg1, %mul3A_1032, %dma_start3A_1036] : memref<16x80x128xi32, #tpu.memory_space<hbm>> -> memref<1x4x128xi32, #tpu.memory_space<hbm>>
        %dma_start3A_1038 = tpu.memref_squeeze %dma_start3A_1037 : memref<1x4x128xi32, #tpu.memory_space<hbm>> -> memref<4x128xi32, #tpu.memory_space<hbm>>
        tpu.enqueue_dma source(%dma_start3A_1038 : memref<4x128xi32, #tpu.memory_space<hbm>>) target(%arg9 : memref<4x128xi32, #tpu.memory_space<vmem>>) target_semaphore(%arg15 : memref<!tpu.dma_semaphore, #tpu.memory_space<semaphore_mem>>)
      } else {
      }
      %get3A_543 = arith.constant 0 : i32
      %get3A_544 = arith.index_cast %get3A_543 : i32 to index
      %get3A_545 = arith.constant 0 : index
      %get3A_546 = tpu.vector_load %arg10[%get3A_544, %get3A_545] {strides = array<i32>} : memref<4x128xi32, #tpu.memory_space<vmem>>, vector<1x16xi32>,
      %get3A_547 = vector.shape_cast %get3A_546 : vector<1x16xi32> to vector<16xi32>
      %shift_right_logical3A_548 = arith.shrui %get3A_547, %broadcast_in_dim3A_11 : vector<16xi32>
      %and3A_549 = arith.andi %get3A_547, %broadcast_in_dim3A_13 : vector<16xi32>
      %and3A_550 = arith.andi %shift_right_logical3A_548, %broadcast_in_dim3A_17 : vector<16xi32>
      %add3A_551 = arith.addi %broadcast_in_dim3A_15, %and3A_550 : vector<16xi32>
      %eq3A_552 = arith.cmpi eq, %and3A_549, %sub3A : vector<16xi32>
      %select_n3A_553 = arith.select %eq3A_552, %shift_right_logical3A_548, %add3A_551 : vector<16xi1>, vector<16xi32>
      %swap3A_554 = arith.constant 0 : index
      %swap3A_555 = tpu.vector_load %arg12[%swap3A_554] {strides = array<i32>} : memref<512xi32, #tpu.memory_space<vmem>>, vector<16xi32>,
      %swap3A_556 = vector.shape_cast %swap3A_555 : vector<16xi32> to vector<16xi32>
      %swap3A_557 = vector.shape_cast %select_n3A_553 : vector<16xi32> to vector<16xi32>
      tpu.vector_store %arg12[%swap3A_554], %swap3A_557 {strides = array<i32>} : memref<512xi32, #tpu.memory_space<vmem>>, vector<16xi32>,
      %get3A_558 = arith.constant 0 : i32
      %get3A_559 = arith.index_cast %get3A_558 : i32 to index
      %get3A_560 = arith.constant 16 : index
      %get3A_561 = tpu.vector_load %arg10[%get3A_559, %get3A_560] {strides = array<i32>} : memref<4x128xi32, #tpu.memory_space<vmem>>, vector<1x16xi32>,
      %get3A_562 = vector.shape_cast %get3A_561 : vector<1x16xi32> to vector<16xi32>
      %shift_right_logical3A_563 = arith.shrui %get3A_562, %broadcast_in_dim3A_11 : vector<16xi32>
      %and3A_564 = arith.andi %get3A_562, %broadcast_in_dim3A_13 : vector<16xi32>
      %and3A_565 = arith.andi %shift_right_logical3A_563, %broadcast_in_dim3A_17 : vector<16xi32>
      %add3A_566 = arith.addi %broadcast_in_dim3A_15, %and3A_565 : vector<16xi32>
      %eq3A_567 = arith.cmpi eq, %and3A_564, %sub3A : vector<16xi32>
      %select_n3A_568 = arith.select %eq3A_567, %shift_right_logical3A_563, %add3A_566 : vector<16xi1>, vector<16xi32>
      %swap3A_569 = arith.constant 16 : index
      %swap3A_570 = tpu.vector_load %arg12[%swap3A_569] {strides = array<i32>} : memref<512xi32, #tpu.memory_space<vmem>>, vector<16xi32>,
      %swap3A_571 = vector.shape_cast %swap3A_570 : vector<16xi32> to vector<16xi32>
      %swap3A_572 = vector.shape_cast %select_n3A_568 : vector<16xi32> to vector<16xi32>
      tpu.vector_store %arg12[%swap3A_569], %swap3A_572 {strides = array<i32>} : memref<512xi32, #tpu.memory_space<vmem>>, vector<16xi32>,
      %get3A_573 = arith.constant 0 : i32
      %get3A_574 = arith.index_cast %get3A_573 : i32 to index
      %get3A_575 = arith.constant 32 : index
      %get3A_576 = tpu.vector_load %arg10[%get3A_574, %get3A_575] {strides = array<i32>} : memref<4x128xi32, #tpu.memory_space<vmem>>, vector<1x16xi32>,
      %get3A_577 = vector.shape_cast %get3A_576 : vector<1x16xi32> to vector<16xi32>
      %shift_right_logical3A_578 = arith.shrui %get3A_577, %broadcast_in_dim3A_11 : vector<16xi32>
      %and3A_579 = arith.andi %get3A_577, %broadcast_in_dim3A_13 : vector<16xi32>
      %and3A_580 = arith.andi %shift_right_logical3A_578, %broadcast_in_dim3A_17 : vector<16xi32>
      %add3A_581 = arith.addi %broadcast_in_dim3A_15, %and3A_580 : vector<16xi32>
      %eq3A_582 = arith.cmpi eq, %and3A_579, %sub3A : vector<16xi32>
      %select_n3A_583 = arith.select %eq3A_582, %shift_right_logical3A_578, %add3A_581 : vector<16xi1>, vector<16xi32>
      %swap3A_584 = arith.constant 32 : index
      %swap3A_585 = tpu.vector_load %arg12[%swap3A_584] {strides = array<i32>} : memref<512xi32, #tpu.memory_space<vmem>>, vector<16xi32>,
      %swap3A_586 = vector.shape_cast %swap3A_585 : vector<16xi32> to vector<16xi32>
      %swap3A_587 = vector.shape_cast %select_n3A_583 : vector<16xi32> to vector<16xi32>
      tpu.vector_store %arg12[%swap3A_584], %swap3A_587 {strides = array<i32>} : memref<512xi32, #tpu.memory_space<vmem>>, vector<16xi32>,
      %get3A_588 = arith.constant 0 : i32
      %get3A_589 = arith.index_cast %get3A_588 : i32 to index
      %get3A_590 = arith.constant 48 : index
      %get3A_591 = tpu.vector_load %arg10[%get3A_589, %get3A_590] {strides = array<i32>} : memref<4x128xi32, #tpu.memory_space<vmem>>, vector<1x16xi32>,
      %get3A_592 = vector.shape_cast %get3A_591 : vector<1x16xi32> to vector<16xi32>
      %shift_right_logical3A_593 = arith.shrui %get3A_592, %broadcast_in_dim3A_11 : vector<16xi32>
      %and3A_594 = arith.andi %get3A_592, %broadcast_in_dim3A_13 : vector<16xi32>
      %and3A_595 = arith.andi %shift_right_logical3A_593, %broadcast_in_dim3A_17 : vector<16xi32>
      %add3A_596 = arith.addi %broadcast_in_dim3A_15, %and3A_595 : vector<16xi32>
      %eq3A_597 = arith.cmpi eq, %and3A_594, %sub3A : vector<16xi32>
      %select_n3A_598 = arith.select %eq3A_597, %shift_right_logical3A_593, %add3A_596 : vector<16xi1>, vector<16xi32>
      %swap3A_599 = arith.constant 48 : index
      %swap3A_600 = tpu.vector_load %arg12[%swap3A_599] {strides = array<i32>} : memref<512xi32, #tpu.memory_space<vmem>>, vector<16xi32>,
      %swap3A_601 = vector.shape_cast %swap3A_600 : vector<16xi32> to vector<16xi32>
      %swap3A_602 = vector.shape_cast %select_n3A_598 : vector<16xi32> to vector<16xi32>
      tpu.vector_store %arg12[%swap3A_599], %swap3A_602 {strides = array<i32>} : memref<512xi32, #tpu.memory_space<vmem>>, vector<16xi32>,
      %get3A_603 = arith.constant 0 : i32
      %get3A_604 = arith.index_cast %get3A_603 : i32 to index
      %get3A_605 = arith.constant 64 : index
      %get3A_606 = tpu.vector_load %arg10[%get3A_604, %get3A_605] {strides = array<i32>} : memref<4x128xi32, #tpu.memory_space<vmem>>, vector<1x16xi32>,
      %get3A_607 = vector.shape_cast %get3A_606 : vector<1x16xi32> to vector<16xi32>
      %shift_right_logical3A_608 = arith.shrui %get3A_607, %broadcast_in_dim3A_11 : vector<16xi32>
      %and3A_609 = arith.andi %get3A_607, %broadcast_in_dim3A_13 : vector<16xi32>
      %and3A_610 = arith.andi %shift_right_logical3A_608, %broadcast_in_dim3A_17 : vector<16xi32>
      %add3A_611 = arith.addi %broadcast_in_dim3A_15, %and3A_610 : vector<16xi32>
      %eq3A_612 = arith.cmpi eq, %and3A_609, %sub3A : vector<16xi32>
      %select_n3A_613 = arith.select %eq3A_612, %shift_right_logical3A_608, %add3A_611 : vector<16xi1>, vector<16xi32>
      %swap3A_614 = arith.constant 64 : index
      %swap3A_615 = tpu.vector_load %arg12[%swap3A_614] {strides = array<i32>} : memref<512xi32, #tpu.memory_space<vmem>>, vector<16xi32>,
      %swap3A_616 = vector.shape_cast %swap3A_615 : vector<16xi32> to vector<16xi32>
      %swap3A_617 = vector.shape_cast %select_n3A_613 : vector<16xi32> to vector<16xi32>
      tpu.vector_store %arg12[%swap3A_614], %swap3A_617 {strides = array<i32>} : memref<512xi32, #tpu.memory_space<vmem>>, vector<16xi32>,
      %get3A_618 = arith.constant 0 : i32
      %get3A_619 = arith.index_cast %get3A_618 : i32 to index
      %get3A_620 = arith.constant 80 : index
      %get3A_621 = tpu.vector_load %arg10[%get3A_619, %get3A_620] {strides = array<i32>} : memref<4x128xi32, #tpu.memory_space<vmem>>, vector<1x16xi32>,
      %get3A_622 = vector.shape_cast %get3A_621 : vector<1x16xi32> to vector<16xi32>
      %shift_right_logical3A_623 = arith.shrui %get3A_622, %broadcast_in_dim3A_11 : vector<16xi32>
      %and3A_624 = arith.andi %get3A_622, %broadcast_in_dim3A_13 : vector<16xi32>
      %and3A_625 = arith.andi %shift_right_logical3A_623, %broadcast_in_dim3A_17 : vector<16xi32>
      %add3A_626 = arith.addi %broadcast_in_dim3A_15, %and3A_625 : vector<16xi32>
      %eq3A_627 = arith.cmpi eq, %and3A_624, %sub3A : vector<16xi32>
      %select_n3A_628 = arith.select %eq3A_627, %shift_right_logical3A_623, %add3A_626 : vector<16xi1>, vector<16xi32>
      %swap3A_629 = arith.constant 80 : index
      %swap3A_630 = tpu.vector_load %arg12[%swap3A_629] {strides = array<i32>} : memref<512xi32, #tpu.memory_space<vmem>>, vector<16xi32>,
      %swap3A_631 = vector.shape_cast %swap3A_630 : vector<16xi32> to vector<16xi32>
      %swap3A_632 = vector.shape_cast %select_n3A_628 : vector<16xi32> to vector<16xi32>
      tpu.vector_store %arg12[%swap3A_629], %swap3A_632 {strides = array<i32>} : memref<512xi32, #tpu.memory_space<vmem>>, vector<16xi32>,
      %get3A_633 = arith.constant 0 : i32
      %get3A_634 = arith.index_cast %get3A_633 : i32 to index
      %get3A_635 = arith.constant 96 : index
      %get3A_636 = tpu.vector_load %arg10[%get3A_634, %get3A_635] {strides = array<i32>} : memref<4x128xi32, #tpu.memory_space<vmem>>, vector<1x16xi32>,
      %get3A_637 = vector.shape_cast %get3A_636 : vector<1x16xi32> to vector<16xi32>
      %shift_right_logical3A_638 = arith.shrui %get3A_637, %broadcast_in_dim3A_11 : vector<16xi32>
      %and3A_639 = arith.andi %get3A_637, %broadcast_in_dim3A_13 : vector<16xi32>
      %and3A_640 = arith.andi %shift_right_logical3A_638, %broadcast_in_dim3A_17 : vector<16xi32>
      %add3A_641 = arith.addi %broadcast_in_dim3A_15, %and3A_640 : vector<16xi32>
      %eq3A_642 = arith.cmpi eq, %and3A_639, %sub3A : vector<16xi32>
      %select_n3A_643 = arith.select %eq3A_642, %shift_right_logical3A_638, %add3A_641 : vector<16xi1>, vector<16xi32>
      %swap3A_644 = arith.constant 96 : index
      %swap3A_645 = tpu.vector_load %arg12[%swap3A_644] {strides = array<i32>} : memref<512xi32, #tpu.memory_space<vmem>>, vector<16xi32>,
      %swap3A_646 = vector.shape_cast %swap3A_645 : vector<16xi32> to vector<16xi32>
      %swap3A_647 = vector.shape_cast %select_n3A_643 : vector<16xi32> to vector<16xi32>
      tpu.vector_store %arg12[%swap3A_644], %swap3A_647 {strides = array<i32>} : memref<512xi32, #tpu.memory_space<vmem>>, vector<16xi32>,
      %get3A_648 = arith.constant 0 : i32
      %get3A_649 = arith.index_cast %get3A_648 : i32 to index
      %get3A_650 = arith.constant 112 : index
      %get3A_651 = tpu.vector_load %arg10[%get3A_649, %get3A_650] {strides = array<i32>} : memref<4x128xi32, #tpu.memory_space<vmem>>, vector<1x16xi32>,
      %get3A_652 = vector.shape_cast %get3A_651 : vector<1x16xi32> to vector<16xi32>
      %shift_right_logical3A_653 = arith.shrui %get3A_652, %broadcast_in_dim3A_11 : vector<16xi32>
      %and3A_654 = arith.andi %get3A_652, %broadcast_in_dim3A_13 : vector<16xi32>
      %and3A_655 = arith.andi %shift_right_logical3A_653, %broadcast_in_dim3A_17 : vector<16xi32>
      %add3A_656 = arith.addi %broadcast_in_dim3A_15, %and3A_655 : vector<16xi32>
      %eq3A_657 = arith.cmpi eq, %and3A_654, %sub3A : vector<16xi32>
      %select_n3A_658 = arith.select %eq3A_657, %shift_right_logical3A_653, %add3A_656 : vector<16xi1>, vector<16xi32>
      %swap3A_659 = arith.constant 112 : index
      %swap3A_660 = tpu.vector_load %arg12[%swap3A_659] {strides = array<i32>} : memref<512xi32, #tpu.memory_space<vmem>>, vector<16xi32>,
      %swap3A_661 = vector.shape_cast %swap3A_660 : vector<16xi32> to vector<16xi32>
      %swap3A_662 = vector.shape_cast %select_n3A_658 : vector<16xi32> to vector<16xi32>
      tpu.vector_store %arg12[%swap3A_659], %swap3A_662 {strides = array<i32>} : memref<512xi32, #tpu.memory_space<vmem>>, vector<16xi32>,
      %get3A_663 = arith.constant 1 : i32
      %get3A_664 = arith.index_cast %get3A_663 : i32 to index
      %get3A_665 = arith.constant 0 : index
      %get3A_666 = tpu.vector_load %arg10[%get3A_664, %get3A_665] {strides = array<i32>} : memref<4x128xi32, #tpu.memory_space<vmem>>, vector<1x16xi32>,
      %get3A_667 = vector.shape_cast %get3A_666 : vector<1x16xi32> to vector<16xi32>
      %shift_right_logical3A_668 = arith.shrui %get3A_667, %broadcast_in_dim3A_11 : vector<16xi32>
      %and3A_669 = arith.andi %get3A_667, %broadcast_in_dim3A_13 : vector<16xi32>
      %and3A_670 = arith.andi %shift_right_logical3A_668, %broadcast_in_dim3A_17 : vector<16xi32>
      %add3A_671 = arith.addi %broadcast_in_dim3A_15, %and3A_670 : vector<16xi32>
      %eq3A_672 = arith.cmpi eq, %and3A_669, %sub3A : vector<16xi32>
      %select_n3A_673 = arith.select %eq3A_672, %shift_right_logical3A_668, %add3A_671 : vector<16xi1>, vector<16xi32>
      %swap3A_674 = arith.constant 128 : index
      %swap3A_675 = tpu.vector_load %arg12[%swap3A_674] {strides = array<i32>} : memref<512xi32, #tpu.memory_space<vmem>>, vector<16xi32>,
      %swap3A_676 = vector.shape_cast %swap3A_675 : vector<16xi32> to vector<16xi32>
      %swap3A_677 = vector.shape_cast %select_n3A_673 : vector<16xi32> to vector<16xi32>
      tpu.vector_store %arg12[%swap3A_674], %swap3A_677 {strides = array<i32>} : memref<512xi32, #tpu.memory_space<vmem>>, vector<16xi32>,
      %get3A_678 = arith.constant 1 : i32
      %get3A_679 = arith.index_cast %get3A_678 : i32 to index
      %get3A_680 = arith.constant 16 : index
      %get3A_681 = tpu.vector_load %arg10[%get3A_679, %get3A_680] {strides = array<i32>} : memref<4x128xi32, #tpu.memory_space<vmem>>, vector<1x16xi32>,
      %get3A_682 = vector.shape_cast %get3A_681 : vector<1x16xi32> to vector<16xi32>
      %shift_right_logical3A_683 = arith.shrui %get3A_682, %broadcast_in_dim3A_11 : vector<16xi32>
      %and3A_684 = arith.andi %get3A_682, %broadcast_in_dim3A_13 : vector<16xi32>
      %and3A_685 = arith.andi %shift_right_logical3A_683, %broadcast_in_dim3A_17 : vector<16xi32>
      %add3A_686 = arith.addi %broadcast_in_dim3A_15, %and3A_685 : vector<16xi32>
      %eq3A_687 = arith.cmpi eq, %and3A_684, %sub3A : vector<16xi32>
      %select_n3A_688 = arith.select %eq3A_687, %shift_right_logical3A_683, %add3A_686 : vector<16xi1>, vector<16xi32>
      %swap3A_689 = arith.constant 144 : index
      %swap3A_690 = tpu.vector_load %arg12[%swap3A_689] {strides = array<i32>} : memref<512xi32, #tpu.memory_space<vmem>>, vector<16xi32>,
      %swap3A_691 = vector.shape_cast %swap3A_690 : vector<16xi32> to vector<16xi32>
      %swap3A_692 = vector.shape_cast %select_n3A_688 : vector<16xi32> to vector<16xi32>
      tpu.vector_store %arg12[%swap3A_689], %swap3A_692 {strides = array<i32>} : memref<512xi32, #tpu.memory_space<vmem>>, vector<16xi32>,
      %get3A_693 = arith.constant 1 : i32
      %get3A_694 = arith.index_cast %get3A_693 : i32 to index
      %get3A_695 = arith.constant 32 : index
      %get3A_696 = tpu.vector_load %arg10[%get3A_694, %get3A_695] {strides = array<i32>} : memref<4x128xi32, #tpu.memory_space<vmem>>, vector<1x16xi32>,
      %get3A_697 = vector.shape_cast %get3A_696 : vector<1x16xi32> to vector<16xi32>
      %shift_right_logical3A_698 = arith.shrui %get3A_697, %broadcast_in_dim3A_11 : vector<16xi32>
      %and3A_699 = arith.andi %get3A_697, %broadcast_in_dim3A_13 : vector<16xi32>
      %and3A_700 = arith.andi %shift_right_logical3A_698, %broadcast_in_dim3A_17 : vector<16xi32>
      %add3A_701 = arith.addi %broadcast_in_dim3A_15, %and3A_700 : vector<16xi32>
      %eq3A_702 = arith.cmpi eq, %and3A_699, %sub3A : vector<16xi32>
      %select_n3A_703 = arith.select %eq3A_702, %shift_right_logical3A_698, %add3A_701 : vector<16xi1>, vector<16xi32>
      %swap3A_704 = arith.constant 160 : index
      %swap3A_705 = tpu.vector_load %arg12[%swap3A_704] {strides = array<i32>} : memref<512xi32, #tpu.memory_space<vmem>>, vector<16xi32>,
      %swap3A_706 = vector.shape_cast %swap3A_705 : vector<16xi32> to vector<16xi32>
      %swap3A_707 = vector.shape_cast %select_n3A_703 : vector<16xi32> to vector<16xi32>
      tpu.vector_store %arg12[%swap3A_704], %swap3A_707 {strides = array<i32>} : memref<512xi32, #tpu.memory_space<vmem>>, vector<16xi32>,
      %get3A_708 = arith.constant 1 : i32
      %get3A_709 = arith.index_cast %get3A_708 : i32 to index
      %get3A_710 = arith.constant 48 : index
      %get3A_711 = tpu.vector_load %arg10[%get3A_709, %get3A_710] {strides = array<i32>} : memref<4x128xi32, #tpu.memory_space<vmem>>, vector<1x16xi32>,
      %get3A_712 = vector.shape_cast %get3A_711 : vector<1x16xi32> to vector<16xi32>
      %shift_right_logical3A_713 = arith.shrui %get3A_712, %broadcast_in_dim3A_11 : vector<16xi32>
      %and3A_714 = arith.andi %get3A_712, %broadcast_in_dim3A_13 : vector<16xi32>
      %and3A_715 = arith.andi %shift_right_logical3A_713, %broadcast_in_dim3A_17 : vector<16xi32>
      %add3A_716 = arith.addi %broadcast_in_dim3A_15, %and3A_715 : vector<16xi32>
      %eq3A_717 = arith.cmpi eq, %and3A_714, %sub3A : vector<16xi32>
      %select_n3A_718 = arith.select %eq3A_717, %shift_right_logical3A_713, %add3A_716 : vector<16xi1>, vector<16xi32>
      %swap3A_719 = arith.constant 176 : index
      %swap3A_720 = tpu.vector_load %arg12[%swap3A_719] {strides = array<i32>} : memref<512xi32, #tpu.memory_space<vmem>>, vector<16xi32>,
      %swap3A_721 = vector.shape_cast %swap3A_720 : vector<16xi32> to vector<16xi32>
      %swap3A_722 = vector.shape_cast %select_n3A_718 : vector<16xi32> to vector<16xi32>
      tpu.vector_store %arg12[%swap3A_719], %swap3A_722 {strides = array<i32>} : memref<512xi32, #tpu.memory_space<vmem>>, vector<16xi32>,
      %get3A_723 = arith.constant 1 : i32
      %get3A_724 = arith.index_cast %get3A_723 : i32 to index
      %get3A_725 = arith.constant 64 : index
      %get3A_726 = tpu.vector_load %arg10[%get3A_724, %get3A_725] {strides = array<i32>} : memref<4x128xi32, #tpu.memory_space<vmem>>, vector<1x16xi32>,
      %get3A_727 = vector.shape_cast %get3A_726 : vector<1x16xi32> to vector<16xi32>
      %shift_right_logical3A_728 = arith.shrui %get3A_727, %broadcast_in_dim3A_11 : vector<16xi32>
      %and3A_729 = arith.andi %get3A_727, %broadcast_in_dim3A_13 : vector<16xi32>
      %and3A_730 = arith.andi %shift_right_logical3A_728, %broadcast_in_dim3A_17 : vector<16xi32>
      %add3A_731 = arith.addi %broadcast_in_dim3A_15, %and3A_730 : vector<16xi32>
      %eq3A_732 = arith.cmpi eq, %and3A_729, %sub3A : vector<16xi32>
      %select_n3A_733 = arith.select %eq3A_732, %shift_right_logical3A_728, %add3A_731 : vector<16xi1>, vector<16xi32>
      %swap3A_734 = arith.constant 192 : index
      %swap3A_735 = tpu.vector_load %arg12[%swap3A_734] {strides = array<i32>} : memref<512xi32, #tpu.memory_space<vmem>>, vector<16xi32>,
      %swap3A_736 = vector.shape_cast %swap3A_735 : vector<16xi32> to vector<16xi32>
      %swap3A_737 = vector.shape_cast %select_n3A_733 : vector<16xi32> to vector<16xi32>
      tpu.vector_store %arg12[%swap3A_734], %swap3A_737 {strides = array<i32>} : memref<512xi32, #tpu.memory_space<vmem>>, vector<16xi32>,
      %get3A_738 = arith.constant 1 : i32
      %get3A_739 = arith.index_cast %get3A_738 : i32 to index
      %get3A_740 = arith.constant 80 : index
      %get3A_741 = tpu.vector_load %arg10[%get3A_739, %get3A_740] {strides = array<i32>} : memref<4x128xi32, #tpu.memory_space<vmem>>, vector<1x16xi32>,
      %get3A_742 = vector.shape_cast %get3A_741 : vector<1x16xi32> to vector<16xi32>
      %shift_right_logical3A_743 = arith.shrui %get3A_742, %broadcast_in_dim3A_11 : vector<16xi32>
      %and3A_744 = arith.andi %get3A_742, %broadcast_in_dim3A_13 : vector<16xi32>
      %and3A_745 = arith.andi %shift_right_logical3A_743, %broadcast_in_dim3A_17 : vector<16xi32>
      %add3A_746 = arith.addi %broadcast_in_dim3A_15, %and3A_745 : vector<16xi32>
      %eq3A_747 = arith.cmpi eq, %and3A_744, %sub3A : vector<16xi32>
      %select_n3A_748 = arith.select %eq3A_747, %shift_right_logical3A_743, %add3A_746 : vector<16xi1>, vector<16xi32>
      %swap3A_749 = arith.constant 208 : index
      %swap3A_750 = tpu.vector_load %arg12[%swap3A_749] {strides = array<i32>} : memref<512xi32, #tpu.memory_space<vmem>>, vector<16xi32>,
      %swap3A_751 = vector.shape_cast %swap3A_750 : vector<16xi32> to vector<16xi32>
      %swap3A_752 = vector.shape_cast %select_n3A_748 : vector<16xi32> to vector<16xi32>
      tpu.vector_store %arg12[%swap3A_749], %swap3A_752 {strides = array<i32>} : memref<512xi32, #tpu.memory_space<vmem>>, vector<16xi32>,
      %get3A_753 = arith.constant 1 : i32
      %get3A_754 = arith.index_cast %get3A_753 : i32 to index
      %get3A_755 = arith.constant 96 : index
      %get3A_756 = tpu.vector_load %arg10[%get3A_754, %get3A_755] {strides = array<i32>} : memref<4x128xi32, #tpu.memory_space<vmem>>, vector<1x16xi32>,
      %get3A_757 = vector.shape_cast %get3A_756 : vector<1x16xi32> to vector<16xi32>
      %shift_right_logical3A_758 = arith.shrui %get3A_757, %broadcast_in_dim3A_11 : vector<16xi32>
      %and3A_759 = arith.andi %get3A_757, %broadcast_in_dim3A_13 : vector<16xi32>
      %and3A_760 = arith.andi %shift_right_logical3A_758, %broadcast_in_dim3A_17 : vector<16xi32>
      %add3A_761 = arith.addi %broadcast_in_dim3A_15, %and3A_760 : vector<16xi32>
      %eq3A_762 = arith.cmpi eq, %and3A_759, %sub3A : vector<16xi32>
      %select_n3A_763 = arith.select %eq3A_762, %shift_right_logical3A_758, %add3A_761 : vector<16xi1>, vector<16xi32>
      %swap3A_764 = arith.constant 224 : index
      %swap3A_765 = tpu.vector_load %arg12[%swap3A_764] {strides = array<i32>} : memref<512xi32, #tpu.memory_space<vmem>>, vector<16xi32>,
      %swap3A_766 = vector.shape_cast %swap3A_765 : vector<16xi32> to vector<16xi32>
      %swap3A_767 = vector.shape_cast %select_n3A_763 : vector<16xi32> to vector<16xi32>
      tpu.vector_store %arg12[%swap3A_764], %swap3A_767 {strides = array<i32>} : memref<512xi32, #tpu.memory_space<vmem>>, vector<16xi32>,
      %get3A_768 = arith.constant 1 : i32
      %get3A_769 = arith.index_cast %get3A_768 : i32 to index
      %get3A_770 = arith.constant 112 : index
      %get3A_771 = tpu.vector_load %arg10[%get3A_769, %get3A_770] {strides = array<i32>} : memref<4x128xi32, #tpu.memory_space<vmem>>, vector<1x16xi32>,
      %get3A_772 = vector.shape_cast %get3A_771 : vector<1x16xi32> to vector<16xi32>
      %shift_right_logical3A_773 = arith.shrui %get3A_772, %broadcast_in_dim3A_11 : vector<16xi32>
      %and3A_774 = arith.andi %get3A_772, %broadcast_in_dim3A_13 : vector<16xi32>
      %and3A_775 = arith.andi %shift_right_logical3A_773, %broadcast_in_dim3A_17 : vector<16xi32>
      %add3A_776 = arith.addi %broadcast_in_dim3A_15, %and3A_775 : vector<16xi32>
      %eq3A_777 = arith.cmpi eq, %and3A_774, %sub3A : vector<16xi32>
      %select_n3A_778 = arith.select %eq3A_777, %shift_right_logical3A_773, %add3A_776 : vector<16xi1>, vector<16xi32>
      %swap3A_779 = arith.constant 240 : index
      %swap3A_780 = tpu.vector_load %arg12[%swap3A_779] {strides = array<i32>} : memref<512xi32, #tpu.memory_space<vmem>>, vector<16xi32>,
      %swap3A_781 = vector.shape_cast %swap3A_780 : vector<16xi32> to vector<16xi32>
      %swap3A_782 = vector.shape_cast %select_n3A_778 : vector<16xi32> to vector<16xi32>
      tpu.vector_store %arg12[%swap3A_779], %swap3A_782 {strides = array<i32>} : memref<512xi32, #tpu.memory_space<vmem>>, vector<16xi32>,
      %get3A_783 = arith.constant 2 : i32
      %get3A_784 = arith.index_cast %get3A_783 : i32 to index
      %get3A_785 = arith.constant 0 : index
      %get3A_786 = tpu.vector_load %arg10[%get3A_784, %get3A_785] {strides = array<i32>} : memref<4x128xi32, #tpu.memory_space<vmem>>, vector<1x16xi32>,
      %get3A_787 = vector.shape_cast %get3A_786 : vector<1x16xi32> to vector<16xi32>
      %shift_right_logical3A_788 = arith.shrui %get3A_787, %broadcast_in_dim3A_11 : vector<16xi32>
      %and3A_789 = arith.andi %get3A_787, %broadcast_in_dim3A_13 : vector<16xi32>
      %and3A_790 = arith.andi %shift_right_logical3A_788, %broadcast_in_dim3A_17 : vector<16xi32>
      %add3A_791 = arith.addi %broadcast_in_dim3A_15, %and3A_790 : vector<16xi32>
      %eq3A_792 = arith.cmpi eq, %and3A_789, %sub3A : vector<16xi32>
      %select_n3A_793 = arith.select %eq3A_792, %shift_right_logical3A_788, %add3A_791 : vector<16xi1>, vector<16xi32>
      %swap3A_794 = arith.constant 256 : index
      %swap3A_795 = tpu.vector_load %arg12[%swap3A_794] {strides = array<i32>} : memref<512xi32, #tpu.memory_space<vmem>>, vector<16xi32>,
      %swap3A_796 = vector.shape_cast %swap3A_795 : vector<16xi32> to vector<16xi32>
      %swap3A_797 = vector.shape_cast %select_n3A_793 : vector<16xi32> to vector<16xi32>
      tpu.vector_store %arg12[%swap3A_794], %swap3A_797 {strides = array<i32>} : memref<512xi32, #tpu.memory_space<vmem>>, vector<16xi32>,
      %get3A_798 = arith.constant 2 : i32
      %get3A_799 = arith.index_cast %get3A_798 : i32 to index
      %get3A_800 = arith.constant 16 : index
      %get3A_801 = tpu.vector_load %arg10[%get3A_799, %get3A_800] {strides = array<i32>} : memref<4x128xi32, #tpu.memory_space<vmem>>, vector<1x16xi32>,
      %get3A_802 = vector.shape_cast %get3A_801 : vector<1x16xi32> to vector<16xi32>
      %shift_right_logical3A_803 = arith.shrui %get3A_802, %broadcast_in_dim3A_11 : vector<16xi32>
      %and3A_804 = arith.andi %get3A_802, %broadcast_in_dim3A_13 : vector<16xi32>
      %and3A_805 = arith.andi %shift_right_logical3A_803, %broadcast_in_dim3A_17 : vector<16xi32>
      %add3A_806 = arith.addi %broadcast_in_dim3A_15, %and3A_805 : vector<16xi32>
      %eq3A_807 = arith.cmpi eq, %and3A_804, %sub3A : vector<16xi32>
      %select_n3A_808 = arith.select %eq3A_807, %shift_right_logical3A_803, %add3A_806 : vector<16xi1>, vector<16xi32>
      %swap3A_809 = arith.constant 272 : index
      %swap3A_810 = tpu.vector_load %arg12[%swap3A_809] {strides = array<i32>} : memref<512xi32, #tpu.memory_space<vmem>>, vector<16xi32>,
      %swap3A_811 = vector.shape_cast %swap3A_810 : vector<16xi32> to vector<16xi32>
      %swap3A_812 = vector.shape_cast %select_n3A_808 : vector<16xi32> to vector<16xi32>
      tpu.vector_store %arg12[%swap3A_809], %swap3A_812 {strides = array<i32>} : memref<512xi32, #tpu.memory_space<vmem>>, vector<16xi32>,
      %get3A_813 = arith.constant 2 : i32
      %get3A_814 = arith.index_cast %get3A_813 : i32 to index
      %get3A_815 = arith.constant 32 : index
      %get3A_816 = tpu.vector_load %arg10[%get3A_814, %get3A_815] {strides = array<i32>} : memref<4x128xi32, #tpu.memory_space<vmem>>, vector<1x16xi32>,
      %get3A_817 = vector.shape_cast %get3A_816 : vector<1x16xi32> to vector<16xi32>
      %shift_right_logical3A_818 = arith.shrui %get3A_817, %broadcast_in_dim3A_11 : vector<16xi32>
      %and3A_819 = arith.andi %get3A_817, %broadcast_in_dim3A_13 : vector<16xi32>
      %and3A_820 = arith.andi %shift_right_logical3A_818, %broadcast_in_dim3A_17 : vector<16xi32>
      %add3A_821 = arith.addi %broadcast_in_dim3A_15, %and3A_820 : vector<16xi32>
      %eq3A_822 = arith.cmpi eq, %and3A_819, %sub3A : vector<16xi32>
      %select_n3A_823 = arith.select %eq3A_822, %shift_right_logical3A_818, %add3A_821 : vector<16xi1>, vector<16xi32>
      %swap3A_824 = arith.constant 288 : index
      %swap3A_825 = tpu.vector_load %arg12[%swap3A_824] {strides = array<i32>} : memref<512xi32, #tpu.memory_space<vmem>>, vector<16xi32>,
      %swap3A_826 = vector.shape_cast %swap3A_825 : vector<16xi32> to vector<16xi32>
      %swap3A_827 = vector.shape_cast %select_n3A_823 : vector<16xi32> to vector<16xi32>
      tpu.vector_store %arg12[%swap3A_824], %swap3A_827 {strides = array<i32>} : memref<512xi32, #tpu.memory_space<vmem>>, vector<16xi32>,
      %get3A_828 = arith.constant 2 : i32
      %get3A_829 = arith.index_cast %get3A_828 : i32 to index
      %get3A_830 = arith.constant 48 : index
      %get3A_831 = tpu.vector_load %arg10[%get3A_829, %get3A_830] {strides = array<i32>} : memref<4x128xi32, #tpu.memory_space<vmem>>, vector<1x16xi32>,
      %get3A_832 = vector.shape_cast %get3A_831 : vector<1x16xi32> to vector<16xi32>
      %shift_right_logical3A_833 = arith.shrui %get3A_832, %broadcast_in_dim3A_11 : vector<16xi32>
      %and3A_834 = arith.andi %get3A_832, %broadcast_in_dim3A_13 : vector<16xi32>
      %and3A_835 = arith.andi %shift_right_logical3A_833, %broadcast_in_dim3A_17 : vector<16xi32>
      %add3A_836 = arith.addi %broadcast_in_dim3A_15, %and3A_835 : vector<16xi32>
      %eq3A_837 = arith.cmpi eq, %and3A_834, %sub3A : vector<16xi32>
      %select_n3A_838 = arith.select %eq3A_837, %shift_right_logical3A_833, %add3A_836 : vector<16xi1>, vector<16xi32>
      %swap3A_839 = arith.constant 304 : index
      %swap3A_840 = tpu.vector_load %arg12[%swap3A_839] {strides = array<i32>} : memref<512xi32, #tpu.memory_space<vmem>>, vector<16xi32>,
      %swap3A_841 = vector.shape_cast %swap3A_840 : vector<16xi32> to vector<16xi32>
      %swap3A_842 = vector.shape_cast %select_n3A_838 : vector<16xi32> to vector<16xi32>
      tpu.vector_store %arg12[%swap3A_839], %swap3A_842 {strides = array<i32>} : memref<512xi32, #tpu.memory_space<vmem>>, vector<16xi32>,
      %get3A_843 = arith.constant 2 : i32
      %get3A_844 = arith.index_cast %get3A_843 : i32 to index
      %get3A_845 = arith.constant 64 : index
      %get3A_846 = tpu.vector_load %arg10[%get3A_844, %get3A_845] {strides = array<i32>} : memref<4x128xi32, #tpu.memory_space<vmem>>, vector<1x16xi32>,
      %get3A_847 = vector.shape_cast %get3A_846 : vector<1x16xi32> to vector<16xi32>
      %shift_right_logical3A_848 = arith.shrui %get3A_847, %broadcast_in_dim3A_11 : vector<16xi32>
      %and3A_849 = arith.andi %get3A_847, %broadcast_in_dim3A_13 : vector<16xi32>
      %and3A_850 = arith.andi %shift_right_logical3A_848, %broadcast_in_dim3A_17 : vector<16xi32>
      %add3A_851 = arith.addi %broadcast_in_dim3A_15, %and3A_850 : vector<16xi32>
      %eq3A_852 = arith.cmpi eq, %and3A_849, %sub3A : vector<16xi32>
      %select_n3A_853 = arith.select %eq3A_852, %shift_right_logical3A_848, %add3A_851 : vector<16xi1>, vector<16xi32>
      %swap3A_854 = arith.constant 320 : index
      %swap3A_855 = tpu.vector_load %arg12[%swap3A_854] {strides = array<i32>} : memref<512xi32, #tpu.memory_space<vmem>>, vector<16xi32>,
      %swap3A_856 = vector.shape_cast %swap3A_855 : vector<16xi32> to vector<16xi32>
      %swap3A_857 = vector.shape_cast %select_n3A_853 : vector<16xi32> to vector<16xi32>
      tpu.vector_store %arg12[%swap3A_854], %swap3A_857 {strides = array<i32>} : memref<512xi32, #tpu.memory_space<vmem>>, vector<16xi32>,
      %get3A_858 = arith.constant 2 : i32
      %get3A_859 = arith.index_cast %get3A_858 : i32 to index
      %get3A_860 = arith.constant 80 : index
      %get3A_861 = tpu.vector_load %arg10[%get3A_859, %get3A_860] {strides = array<i32>} : memref<4x128xi32, #tpu.memory_space<vmem>>, vector<1x16xi32>,
      %get3A_862 = vector.shape_cast %get3A_861 : vector<1x16xi32> to vector<16xi32>
      %shift_right_logical3A_863 = arith.shrui %get3A_862, %broadcast_in_dim3A_11 : vector<16xi32>
      %and3A_864 = arith.andi %get3A_862, %broadcast_in_dim3A_13 : vector<16xi32>
      %and3A_865 = arith.andi %shift_right_logical3A_863, %broadcast_in_dim3A_17 : vector<16xi32>
      %add3A_866 = arith.addi %broadcast_in_dim3A_15, %and3A_865 : vector<16xi32>
      %eq3A_867 = arith.cmpi eq, %and3A_864, %sub3A : vector<16xi32>
      %select_n3A_868 = arith.select %eq3A_867, %shift_right_logical3A_863, %add3A_866 : vector<16xi1>, vector<16xi32>
      %swap3A_869 = arith.constant 336 : index
      %swap3A_870 = tpu.vector_load %arg12[%swap3A_869] {strides = array<i32>} : memref<512xi32, #tpu.memory_space<vmem>>, vector<16xi32>,
      %swap3A_871 = vector.shape_cast %swap3A_870 : vector<16xi32> to vector<16xi32>
      %swap3A_872 = vector.shape_cast %select_n3A_868 : vector<16xi32> to vector<16xi32>
      tpu.vector_store %arg12[%swap3A_869], %swap3A_872 {strides = array<i32>} : memref<512xi32, #tpu.memory_space<vmem>>, vector<16xi32>,
      %get3A_873 = arith.constant 2 : i32
      %get3A_874 = arith.index_cast %get3A_873 : i32 to index
      %get3A_875 = arith.constant 96 : index
      %get3A_876 = tpu.vector_load %arg10[%get3A_874, %get3A_875] {strides = array<i32>} : memref<4x128xi32, #tpu.memory_space<vmem>>, vector<1x16xi32>,
      %get3A_877 = vector.shape_cast %get3A_876 : vector<1x16xi32> to vector<16xi32>
      %shift_right_logical3A_878 = arith.shrui %get3A_877, %broadcast_in_dim3A_11 : vector<16xi32>
      %and3A_879 = arith.andi %get3A_877, %broadcast_in_dim3A_13 : vector<16xi32>
      %and3A_880 = arith.andi %shift_right_logical3A_878, %broadcast_in_dim3A_17 : vector<16xi32>
      %add3A_881 = arith.addi %broadcast_in_dim3A_15, %and3A_880 : vector<16xi32>
      %eq3A_882 = arith.cmpi eq, %and3A_879, %sub3A : vector<16xi32>
      %select_n3A_883 = arith.select %eq3A_882, %shift_right_logical3A_878, %add3A_881 : vector<16xi1>, vector<16xi32>
      %swap3A_884 = arith.constant 352 : index
      %swap3A_885 = tpu.vector_load %arg12[%swap3A_884] {strides = array<i32>} : memref<512xi32, #tpu.memory_space<vmem>>, vector<16xi32>,
      %swap3A_886 = vector.shape_cast %swap3A_885 : vector<16xi32> to vector<16xi32>
      %swap3A_887 = vector.shape_cast %select_n3A_883 : vector<16xi32> to vector<16xi32>
      tpu.vector_store %arg12[%swap3A_884], %swap3A_887 {strides = array<i32>} : memref<512xi32, #tpu.memory_space<vmem>>, vector<16xi32>,
      %get3A_888 = arith.constant 2 : i32
      %get3A_889 = arith.index_cast %get3A_888 : i32 to index
      %get3A_890 = arith.constant 112 : index
      %get3A_891 = tpu.vector_load %arg10[%get3A_889, %get3A_890] {strides = array<i32>} : memref<4x128xi32, #tpu.memory_space<vmem>>, vector<1x16xi32>,
      %get3A_892 = vector.shape_cast %get3A_891 : vector<1x16xi32> to vector<16xi32>
      %shift_right_logical3A_893 = arith.shrui %get3A_892, %broadcast_in_dim3A_11 : vector<16xi32>
      %and3A_894 = arith.andi %get3A_892, %broadcast_in_dim3A_13 : vector<16xi32>
      %and3A_895 = arith.andi %shift_right_logical3A_893, %broadcast_in_dim3A_17 : vector<16xi32>
      %add3A_896 = arith.addi %broadcast_in_dim3A_15, %and3A_895 : vector<16xi32>
      %eq3A_897 = arith.cmpi eq, %and3A_894, %sub3A : vector<16xi32>
      %select_n3A_898 = arith.select %eq3A_897, %shift_right_logical3A_893, %add3A_896 : vector<16xi1>, vector<16xi32>
      %swap3A_899 = arith.constant 368 : index
      %swap3A_900 = tpu.vector_load %arg12[%swap3A_899] {strides = array<i32>} : memref<512xi32, #tpu.memory_space<vmem>>, vector<16xi32>,
      %swap3A_901 = vector.shape_cast %swap3A_900 : vector<16xi32> to vector<16xi32>
      %swap3A_902 = vector.shape_cast %select_n3A_898 : vector<16xi32> to vector<16xi32>
      tpu.vector_store %arg12[%swap3A_899], %swap3A_902 {strides = array<i32>} : memref<512xi32, #tpu.memory_space<vmem>>, vector<16xi32>,
      %get3A_903 = arith.constant 3 : i32
      %get3A_904 = arith.index_cast %get3A_903 : i32 to index
      %get3A_905 = arith.constant 0 : index
      %get3A_906 = tpu.vector_load %arg10[%get3A_904, %get3A_905] {strides = array<i32>} : memref<4x128xi32, #tpu.memory_space<vmem>>, vector<1x16xi32>,
      %get3A_907 = vector.shape_cast %get3A_906 : vector<1x16xi32> to vector<16xi32>
      %shift_right_logical3A_908 = arith.shrui %get3A_907, %broadcast_in_dim3A_11 : vector<16xi32>
      %and3A_909 = arith.andi %get3A_907, %broadcast_in_dim3A_13 : vector<16xi32>
      %and3A_910 = arith.andi %shift_right_logical3A_908, %broadcast_in_dim3A_17 : vector<16xi32>
      %add3A_911 = arith.addi %broadcast_in_dim3A_15, %and3A_910 : vector<16xi32>
      %eq3A_912 = arith.cmpi eq, %and3A_909, %sub3A : vector<16xi32>
      %select_n3A_913 = arith.select %eq3A_912, %shift_right_logical3A_908, %add3A_911 : vector<16xi1>, vector<16xi32>
      %swap3A_914 = arith.constant 384 : index
      %swap3A_915 = tpu.vector_load %arg12[%swap3A_914] {strides = array<i32>} : memref<512xi32, #tpu.memory_space<vmem>>, vector<16xi32>,
      %swap3A_916 = vector.shape_cast %swap3A_915 : vector<16xi32> to vector<16xi32>
      %swap3A_917 = vector.shape_cast %select_n3A_913 : vector<16xi32> to vector<16xi32>
      tpu.vector_store %arg12[%swap3A_914], %swap3A_917 {strides = array<i32>} : memref<512xi32, #tpu.memory_space<vmem>>, vector<16xi32>,
      %get3A_918 = arith.constant 3 : i32
      %get3A_919 = arith.index_cast %get3A_918 : i32 to index
      %get3A_920 = arith.constant 16 : index
      %get3A_921 = tpu.vector_load %arg10[%get3A_919, %get3A_920] {strides = array<i32>} : memref<4x128xi32, #tpu.memory_space<vmem>>, vector<1x16xi32>,
      %get3A_922 = vector.shape_cast %get3A_921 : vector<1x16xi32> to vector<16xi32>
      %shift_right_logical3A_923 = arith.shrui %get3A_922, %broadcast_in_dim3A_11 : vector<16xi32>
      %and3A_924 = arith.andi %get3A_922, %broadcast_in_dim3A_13 : vector<16xi32>
      %and3A_925 = arith.andi %shift_right_logical3A_923, %broadcast_in_dim3A_17 : vector<16xi32>
      %add3A_926 = arith.addi %broadcast_in_dim3A_15, %and3A_925 : vector<16xi32>
      %eq3A_927 = arith.cmpi eq, %and3A_924, %sub3A : vector<16xi32>
      %select_n3A_928 = arith.select %eq3A_927, %shift_right_logical3A_923, %add3A_926 : vector<16xi1>, vector<16xi32>
      %swap3A_929 = arith.constant 400 : index
      %swap3A_930 = tpu.vector_load %arg12[%swap3A_929] {strides = array<i32>} : memref<512xi32, #tpu.memory_space<vmem>>, vector<16xi32>,
      %swap3A_931 = vector.shape_cast %swap3A_930 : vector<16xi32> to vector<16xi32>
      %swap3A_932 = vector.shape_cast %select_n3A_928 : vector<16xi32> to vector<16xi32>
      tpu.vector_store %arg12[%swap3A_929], %swap3A_932 {strides = array<i32>} : memref<512xi32, #tpu.memory_space<vmem>>, vector<16xi32>,
      %get3A_933 = arith.constant 3 : i32
      %get3A_934 = arith.index_cast %get3A_933 : i32 to index
      %get3A_935 = arith.constant 32 : index
      %get3A_936 = tpu.vector_load %arg10[%get3A_934, %get3A_935] {strides = array<i32>} : memref<4x128xi32, #tpu.memory_space<vmem>>, vector<1x16xi32>,
      %get3A_937 = vector.shape_cast %get3A_936 : vector<1x16xi32> to vector<16xi32>
      %shift_right_logical3A_938 = arith.shrui %get3A_937, %broadcast_in_dim3A_11 : vector<16xi32>
      %and3A_939 = arith.andi %get3A_937, %broadcast_in_dim3A_13 : vector<16xi32>
      %and3A_940 = arith.andi %shift_right_logical3A_938, %broadcast_in_dim3A_17 : vector<16xi32>
      %add3A_941 = arith.addi %broadcast_in_dim3A_15, %and3A_940 : vector<16xi32>
      %eq3A_942 = arith.cmpi eq, %and3A_939, %sub3A : vector<16xi32>
      %select_n3A_943 = arith.select %eq3A_942, %shift_right_logical3A_938, %add3A_941 : vector<16xi1>, vector<16xi32>
      %swap3A_944 = arith.constant 416 : index
      %swap3A_945 = tpu.vector_load %arg12[%swap3A_944] {strides = array<i32>} : memref<512xi32, #tpu.memory_space<vmem>>, vector<16xi32>,
      %swap3A_946 = vector.shape_cast %swap3A_945 : vector<16xi32> to vector<16xi32>
      %swap3A_947 = vector.shape_cast %select_n3A_943 : vector<16xi32> to vector<16xi32>
      tpu.vector_store %arg12[%swap3A_944], %swap3A_947 {strides = array<i32>} : memref<512xi32, #tpu.memory_space<vmem>>, vector<16xi32>,
      %get3A_948 = arith.constant 3 : i32
      %get3A_949 = arith.index_cast %get3A_948 : i32 to index
      %get3A_950 = arith.constant 48 : index
      %get3A_951 = tpu.vector_load %arg10[%get3A_949, %get3A_950] {strides = array<i32>} : memref<4x128xi32, #tpu.memory_space<vmem>>, vector<1x16xi32>,
      %get3A_952 = vector.shape_cast %get3A_951 : vector<1x16xi32> to vector<16xi32>
      %shift_right_logical3A_953 = arith.shrui %get3A_952, %broadcast_in_dim3A_11 : vector<16xi32>
      %and3A_954 = arith.andi %get3A_952, %broadcast_in_dim3A_13 : vector<16xi32>
      %and3A_955 = arith.andi %shift_right_logical3A_953, %broadcast_in_dim3A_17 : vector<16xi32>
      %add3A_956 = arith.addi %broadcast_in_dim3A_15, %and3A_955 : vector<16xi32>
      %eq3A_957 = arith.cmpi eq, %and3A_954, %sub3A : vector<16xi32>
      %select_n3A_958 = arith.select %eq3A_957, %shift_right_logical3A_953, %add3A_956 : vector<16xi1>, vector<16xi32>
      %swap3A_959 = arith.constant 432 : index
      %swap3A_960 = tpu.vector_load %arg12[%swap3A_959] {strides = array<i32>} : memref<512xi32, #tpu.memory_space<vmem>>, vector<16xi32>,
      %swap3A_961 = vector.shape_cast %swap3A_960 : vector<16xi32> to vector<16xi32>
      %swap3A_962 = vector.shape_cast %select_n3A_958 : vector<16xi32> to vector<16xi32>
      tpu.vector_store %arg12[%swap3A_959], %swap3A_962 {strides = array<i32>} : memref<512xi32, #tpu.memory_space<vmem>>, vector<16xi32>,
      %get3A_963 = arith.constant 3 : i32
      %get3A_964 = arith.index_cast %get3A_963 : i32 to index
      %get3A_965 = arith.constant 64 : index
      %get3A_966 = tpu.vector_load %arg10[%get3A_964, %get3A_965] {strides = array<i32>} : memref<4x128xi32, #tpu.memory_space<vmem>>, vector<1x16xi32>,
      %get3A_967 = vector.shape_cast %get3A_966 : vector<1x16xi32> to vector<16xi32>
      %shift_right_logical3A_968 = arith.shrui %get3A_967, %broadcast_in_dim3A_11 : vector<16xi32>
      %and3A_969 = arith.andi %get3A_967, %broadcast_in_dim3A_13 : vector<16xi32>
      %and3A_970 = arith.andi %shift_right_logical3A_968, %broadcast_in_dim3A_17 : vector<16xi32>
      %add3A_971 = arith.addi %broadcast_in_dim3A_15, %and3A_970 : vector<16xi32>
      %eq3A_972 = arith.cmpi eq, %and3A_969, %sub3A : vector<16xi32>
      %select_n3A_973 = arith.select %eq3A_972, %shift_right_logical3A_968, %add3A_971 : vector<16xi1>, vector<16xi32>
      %swap3A_974 = arith.constant 448 : index
      %swap3A_975 = tpu.vector_load %arg12[%swap3A_974] {strides = array<i32>} : memref<512xi32, #tpu.memory_space<vmem>>, vector<16xi32>,
      %swap3A_976 = vector.shape_cast %swap3A_975 : vector<16xi32> to vector<16xi32>
      %swap3A_977 = vector.shape_cast %select_n3A_973 : vector<16xi32> to vector<16xi32>
      tpu.vector_store %arg12[%swap3A_974], %swap3A_977 {strides = array<i32>} : memref<512xi32, #tpu.memory_space<vmem>>, vector<16xi32>,
      %get3A_978 = arith.constant 3 : i32
      %get3A_979 = arith.index_cast %get3A_978 : i32 to index
      %get3A_980 = arith.constant 80 : index
      %get3A_981 = tpu.vector_load %arg10[%get3A_979, %get3A_980] {strides = array<i32>} : memref<4x128xi32, #tpu.memory_space<vmem>>, vector<1x16xi32>,
      %get3A_982 = vector.shape_cast %get3A_981 : vector<1x16xi32> to vector<16xi32>
      %shift_right_logical3A_983 = arith.shrui %get3A_982, %broadcast_in_dim3A_11 : vector<16xi32>
      %and3A_984 = arith.andi %get3A_982, %broadcast_in_dim3A_13 : vector<16xi32>
      %and3A_985 = arith.andi %shift_right_logical3A_983, %broadcast_in_dim3A_17 : vector<16xi32>
      %add3A_986 = arith.addi %broadcast_in_dim3A_15, %and3A_985 : vector<16xi32>
      %eq3A_987 = arith.cmpi eq, %and3A_984, %sub3A : vector<16xi32>
      %select_n3A_988 = arith.select %eq3A_987, %shift_right_logical3A_983, %add3A_986 : vector<16xi1>, vector<16xi32>
      %swap3A_989 = arith.constant 464 : index
      %swap3A_990 = tpu.vector_load %arg12[%swap3A_989] {strides = array<i32>} : memref<512xi32, #tpu.memory_space<vmem>>, vector<16xi32>,
      %swap3A_991 = vector.shape_cast %swap3A_990 : vector<16xi32> to vector<16xi32>
      %swap3A_992 = vector.shape_cast %select_n3A_988 : vector<16xi32> to vector<16xi32>
      tpu.vector_store %arg12[%swap3A_989], %swap3A_992 {strides = array<i32>} : memref<512xi32, #tpu.memory_space<vmem>>, vector<16xi32>,
      %get3A_993 = arith.constant 3 : i32
      %get3A_994 = arith.index_cast %get3A_993 : i32 to index
      %get3A_995 = arith.constant 96 : index
      %get3A_996 = tpu.vector_load %arg10[%get3A_994, %get3A_995] {strides = array<i32>} : memref<4x128xi32, #tpu.memory_space<vmem>>, vector<1x16xi32>,
      %get3A_997 = vector.shape_cast %get3A_996 : vector<1x16xi32> to vector<16xi32>
      %shift_right_logical3A_998 = arith.shrui %get3A_997, %broadcast_in_dim3A_11 : vector<16xi32>
      %and3A_999 = arith.andi %get3A_997, %broadcast_in_dim3A_13 : vector<16xi32>
      %and3A_1000 = arith.andi %shift_right_logical3A_998, %broadcast_in_dim3A_17 : vector<16xi32>
      %add3A_1001 = arith.addi %broadcast_in_dim3A_15, %and3A_1000 : vector<16xi32>
      %eq3A_1002 = arith.cmpi eq, %and3A_999, %sub3A : vector<16xi32>
      %select_n3A_1003 = arith.select %eq3A_1002, %shift_right_logical3A_998, %add3A_1001 : vector<16xi1>, vector<16xi32>
      %swap3A_1004 = arith.constant 480 : index
      %swap3A_1005 = tpu.vector_load %arg12[%swap3A_1004] {strides = array<i32>} : memref<512xi32, #tpu.memory_space<vmem>>, vector<16xi32>,
      %swap3A_1006 = vector.shape_cast %swap3A_1005 : vector<16xi32> to vector<16xi32>
      %swap3A_1007 = vector.shape_cast %select_n3A_1003 : vector<16xi32> to vector<16xi32>
      tpu.vector_store %arg12[%swap3A_1004], %swap3A_1007 {strides = array<i32>} : memref<512xi32, #tpu.memory_space<vmem>>, vector<16xi32>,
      %get3A_1008 = arith.constant 3 : i32
      %get3A_1009 = arith.index_cast %get3A_1008 : i32 to index
      %get3A_1010 = arith.constant 112 : index
      %get3A_1011 = tpu.vector_load %arg10[%get3A_1009, %get3A_1010] {strides = array<i32>} : memref<4x128xi32, #tpu.memory_space<vmem>>, vector<1x16xi32>,
      %get3A_1012 = vector.shape_cast %get3A_1011 : vector<1x16xi32> to vector<16xi32>
      %shift_right_logical3A_1013 = arith.shrui %get3A_1012, %broadcast_in_dim3A_11 : vector<16xi32>
      %and3A_1014 = arith.andi %get3A_1012, %broadcast_in_dim3A_13 : vector<16xi32>
      %and3A_1015 = arith.andi %shift_right_logical3A_1013, %broadcast_in_dim3A_17 : vector<16xi32>
      %add3A_1016 = arith.addi %broadcast_in_dim3A_15, %and3A_1015 : vector<16xi32>
      %eq3A_1017 = arith.cmpi eq, %and3A_1014, %sub3A : vector<16xi32>
      %select_n3A_1018 = arith.select %eq3A_1017, %shift_right_logical3A_1013, %add3A_1016 : vector<16xi1>, vector<16xi32>
      %swap3A_1019 = arith.constant 496 : index
      %swap3A_1020 = tpu.vector_load %arg12[%swap3A_1019] {strides = array<i32>} : memref<512xi32, #tpu.memory_space<vmem>>, vector<16xi32>,
      %swap3A_1021 = vector.shape_cast %swap3A_1020 : vector<16xi32> to vector<16xi32>
      %swap3A_1022 = vector.shape_cast %select_n3A_1018 : vector<16xi32> to vector<16xi32>
      tpu.vector_store %arg12[%swap3A_1019], %swap3A_1022 {strides = array<i32>} : memref<512xi32, #tpu.memory_space<vmem>>, vector<16xi32>,
      %dma_start3A_1023 = arith.constant 0 : i32
      %dma_start3A_1024 = tpu.memref_slice %arg14[%dma_start3A_1023] : memref<2049040xf32, #tpu.memory_space<vmem_shared>> -> memref<2049040xf32, #tpu.memory_space<vmem_shared>>
      tpu.enqueue_indirect_dma source(%arg13 : memref<512xf32, #tpu.memory_space<vmem>>) target(%dma_start3A_1024 : memref<2049040xf32, #tpu.memory_space<vmem_shared>>) offsets(%arg12 : memref<512xi32, #tpu.memory_space<vmem>>) semaphore(%arg17 : memref<!tpu.dma_semaphore, #tpu.memory_space<semaphore_mem>>) {add = true}
      %dma_wait3A_1025 = arith.constant 0 : i32
      %dma_wait3A_1026 = tpu.memref_slice %arg14[%dma_wait3A_1025] : memref<2049040xf32, #tpu.memory_space<vmem_shared>> -> memref<2049040xf32, #tpu.memory_space<vmem_shared>>
      tpu.wait_indirect_dma semaphore(%arg17 : memref<!tpu.dma_semaphore, #tpu.memory_space<semaphore_mem>>) src(%arg13 : memref<512xf32, #tpu.memory_space<vmem>>) dst(%dma_wait3A_1026 : memref<2049040xf32, #tpu.memory_space<vmem_shared>>)
      %dma_wait3A_1027 = arith.constant 0 : i32
      %dma_wait3A_1028 = tpu.memref_slice %arg14[%dma_wait3A_1027] : memref<2049040xf32, #tpu.memory_space<vmem_shared>> -> memref<2049040xf32, #tpu.memory_space<vmem_shared>>
      tpu.wait_indirect_dma semaphore(%arg17 : memref<!tpu.dma_semaphore, #tpu.memory_space<semaphore_mem>>) src(%arg13 : memref<512xf32, #tpu.memory_space<vmem>>) dst(%dma_wait3A_1028 : memref<2049040xf32, #tpu.memory_space<vmem_shared>>)
    }
    %scan3A_22 = arith.constant 10 : i32
    %barrier3A_23 = arith.constant 0 : index
    tpu.barrier barrier_id(%barrier3A_23)
    %eq3A = arith.constant 0 : i32
    "tpu.trace_stop"() : () -> ()
    "tpu.trace_start"() <{level = 10 : i32, message = "cnt_out"}> : () -> ()
    %eq3A_24 = arith.cmpi eq, %arg0, %eq3A : i32
    %convert_element_type3A = arith.extui %eq3A_24 : i1 to i32
    %cond3A = arith.constant 0 : i32
    %cond3A_25 = arith.cmpi ne, %convert_element_type3A, %cond3A : i32
    scf.if %cond3A_25 {
      %lt3A = arith.constant 10 : i32
      %lt3A_31 = arith.cmpi slt, %arg1, %lt3A : i32
      %convert_element_type3A_32 = arith.extui %lt3A_31 : i1 to i32
      %cond3A_33 = arith.constant 0 : i32
      %cond3A_34 = arith.cmpi ne, %convert_element_type3A_32, %cond3A_33 : i32
      scf.if %cond3A_34 {
        %mul3A_44 = arith.constant 128000 : i32
        %mul3A_45 = arith.muli %arg1, %mul3A_44 : i32
        %mul3A_46 = arith.constant 128000 : i32
        %mul3A_47 = arith.muli %arg1, %mul3A_46 : i32
        "tpu.region"() ({
          %run_scoped3A = tpu.sem_alloc : memref<!tpu.dma_semaphore, #tpu.memory_space<semaphore_mem>>
          %dma_start3A_48 = tpu.memref_slice %arg5[%mul3A_47] : memref<1310720xf32, #tpu.memory_space<hbm>> -> memref<128000xf32, #tpu.memory_space<hbm>>
          %dma_start3A_49 = tpu.memref_slice %arg14[%mul3A_45] : memref<2049040xf32, #tpu.memory_space<vmem_shared>> -> memref<128000xf32, #tpu.memory_space<vmem_shared>>
          tpu.enqueue_dma source(%dma_start3A_49 : memref<128000xf32, #tpu.memory_space<vmem_shared>>) target(%dma_start3A_48 : memref<128000xf32, #tpu.memory_space<hbm>>) target_semaphore(%run_scoped3A : memref<!tpu.dma_semaphore, #tpu.memory_space<semaphore_mem>>)
          %dma_wait3A = tpu.memref_slice %arg5[%mul3A_47] : memref<1310720xf32, #tpu.memory_space<hbm>> -> memref<128000xf32, #tpu.memory_space<hbm>>
          %dma_wait3A_50 = tpu.memref_slice %arg14[%mul3A_45] : memref<2049040xf32, #tpu.memory_space<vmem_shared>> -> memref<128000xf32, #tpu.memory_space<vmem_shared>>
          tpu.wait_dma2 semaphore(%run_scoped3A : memref<!tpu.dma_semaphore, #tpu.memory_space<semaphore_mem>>) src(%dma_wait3A_50 : memref<128000xf32, #tpu.memory_space<vmem_shared>>) dst(%dma_wait3A : memref<128000xf32, #tpu.memory_space<hbm>>)
          tpu.yield
        }) : () -> ()
      } else {
      }
      %eq3A_35 = arith.constant 10 : i32
      %eq3A_36 = arith.cmpi eq, %arg1, %eq3A_35 : i32
      %convert_element_type3A_37 = arith.extui %eq3A_36 : i1 to i32
      %cond3A_38 = arith.constant 0 : i32
      %cond3A_39 = arith.cmpi ne, %convert_element_type3A_37, %cond3A_38 : i32
      scf.if %cond3A_39 {
        "tpu.region"() ({
          %run_scoped3A = tpu.sem_alloc : memref<!tpu.dma_semaphore, #tpu.memory_space<semaphore_mem>>
          %dma_start3A_44 = arith.constant 1280000 : i32
          %dma_start3A_45 = tpu.memref_slice %arg5[%dma_start3A_44] : memref<1310720xf32, #tpu.memory_space<hbm>> -> memref<30720xf32, #tpu.memory_space<hbm>>
          %dma_start3A_46 = arith.constant 1280000 : i32
          %dma_start3A_47 = tpu.memref_slice %arg14[%dma_start3A_46] : memref<2049040xf32, #tpu.memory_space<vmem_shared>> -> memref<30720xf32, #tpu.memory_space<vmem_shared>>
          tpu.enqueue_dma source(%dma_start3A_47 : memref<30720xf32, #tpu.memory_space<vmem_shared>>) target(%dma_start3A_45 : memref<30720xf32, #tpu.memory_space<hbm>>) target_semaphore(%run_scoped3A : memref<!tpu.dma_semaphore, #tpu.memory_space<semaphore_mem>>)
          %dma_wait3A = arith.constant 1280000 : i32
          %dma_wait3A_48 = tpu.memref_slice %arg5[%dma_wait3A] : memref<1310720xf32, #tpu.memory_space<hbm>> -> memref<30720xf32, #tpu.memory_space<hbm>>
          %dma_wait3A_49 = arith.constant 1280000 : i32
          %dma_wait3A_50 = tpu.memref_slice %arg14[%dma_wait3A_49] : memref<2049040xf32, #tpu.memory_space<vmem_shared>> -> memref<30720xf32, #tpu.memory_space<vmem_shared>>
          tpu.wait_dma2 semaphore(%run_scoped3A : memref<!tpu.dma_semaphore, #tpu.memory_space<semaphore_mem>>) src(%dma_wait3A_50 : memref<30720xf32, #tpu.memory_space<vmem_shared>>) dst(%dma_wait3A_48 : memref<30720xf32, #tpu.memory_space<hbm>>)
          tpu.yield
        }) : () -> ()
        "tpu.region"() ({
          %run_scoped3A = tpu.sem_alloc : memref<!tpu.dma_semaphore, #tpu.memory_space<semaphore_mem>>
          %dma_start3A_44 = arith.constant 0 : i32
          %dma_start3A_45 = tpu.memref_slice %arg6[%dma_start3A_44] : memref<737280xf32, #tpu.memory_space<hbm>> -> memref<97280xf32, #tpu.memory_space<hbm>>
          %dma_start3A_46 = arith.constant 1310720 : i32
          %dma_start3A_47 = tpu.memref_slice %arg14[%dma_start3A_46] : memref<2049040xf32, #tpu.memory_space<vmem_shared>> -> memref<97280xf32, #tpu.memory_space<vmem_shared>>
          tpu.enqueue_dma source(%dma_start3A_47 : memref<97280xf32, #tpu.memory_space<vmem_shared>>) target(%dma_start3A_45 : memref<97280xf32, #tpu.memory_space<hbm>>) target_semaphore(%run_scoped3A : memref<!tpu.dma_semaphore, #tpu.memory_space<semaphore_mem>>)
          %dma_wait3A = arith.constant 0 : i32
          %dma_wait3A_48 = tpu.memref_slice %arg6[%dma_wait3A] : memref<737280xf32, #tpu.memory_space<hbm>> -> memref<97280xf32, #tpu.memory_space<hbm>>
          %dma_wait3A_49 = arith.constant 1310720 : i32
          %dma_wait3A_50 = tpu.memref_slice %arg14[%dma_wait3A_49] : memref<2049040xf32, #tpu.memory_space<vmem_shared>> -> memref<97280xf32, #tpu.memory_space<vmem_shared>>
          tpu.wait_dma2 semaphore(%run_scoped3A : memref<!tpu.dma_semaphore, #tpu.memory_space<semaphore_mem>>) src(%dma_wait3A_50 : memref<97280xf32, #tpu.memory_space<vmem_shared>>) dst(%dma_wait3A_48 : memref<97280xf32, #tpu.memory_space<hbm>>)
          tpu.yield
        }) : () -> ()
      } else {
      }
      %gt3A = arith.constant 10 : i32
      %gt3A_40 = arith.cmpi sgt, %arg1, %gt3A : i32
      %convert_element_type3A_41 = arith.extui %gt3A_40 : i1 to i32
      %cond3A_42 = arith.constant 0 : i32
      %cond3A_43 = arith.cmpi ne, %convert_element_type3A_41, %cond3A_42 : i32
      scf.if %cond3A_43 {
        %mul3A_44 = arith.constant 128000 : i32
        %mul3A_45 = arith.muli %arg1, %mul3A_44 : i32
        %sub3A_46 = arith.constant 1310720 : i32
        %sub3A_47 = arith.subi %mul3A_45, %sub3A_46 : i32
        %mul3A_48 = arith.constant 128000 : i32
        %mul3A_49 = arith.muli %arg1, %mul3A_48 : i32
        "tpu.region"() ({
          %run_scoped3A = tpu.sem_alloc : memref<!tpu.dma_semaphore, #tpu.memory_space<semaphore_mem>>
          %dma_start3A_50 = tpu.memref_slice %arg6[%sub3A_47] : memref<737280xf32, #tpu.memory_space<hbm>> -> memref<128000xf32, #tpu.memory_space<hbm>>
          %dma_start3A_51 = tpu.memref_slice %arg14[%mul3A_49] : memref<2049040xf32, #tpu.memory_space<vmem_shared>> -> memref<128000xf32, #tpu.memory_space<vmem_shared>>
          tpu.enqueue_dma source(%dma_start3A_51 : memref<128000xf32, #tpu.memory_space<vmem_shared>>) target(%dma_start3A_50 : memref<128000xf32, #tpu.memory_space<hbm>>) target_semaphore(%run_scoped3A : memref<!tpu.dma_semaphore, #tpu.memory_space<semaphore_mem>>)
          %dma_wait3A = tpu.memref_slice %arg6[%sub3A_47] : memref<737280xf32, #tpu.memory_space<hbm>> -> memref<128000xf32, #tpu.memory_space<hbm>>
          %dma_wait3A_52 = tpu.memref_slice %arg14[%mul3A_49] : memref<2049040xf32, #tpu.memory_space<vmem_shared>> -> memref<128000xf32, #tpu.memory_space<vmem_shared>>
          tpu.wait_dma2 semaphore(%run_scoped3A : memref<!tpu.dma_semaphore, #tpu.memory_space<semaphore_mem>>) src(%dma_wait3A_52 : memref<128000xf32, #tpu.memory_space<vmem_shared>>) dst(%dma_wait3A : memref<128000xf32, #tpu.memory_space<hbm>>)
          tpu.yield
        }) : () -> ()
      } else {
      }
    } else {
    }
    %eq3A_26 = arith.constant 1 : i32
    %eq3A_27 = arith.cmpi eq, %arg0, %eq3A_26 : i32
    %convert_element_type3A_28 = arith.extui %eq3A_27 : i1 to i32
    %cond3A_29 = arith.constant 0 : i32
    %cond3A_30 = arith.cmpi ne, %convert_element_type3A_28, %cond3A_29 : i32
    scf.if %cond3A_30 {
      %lt3A = arith.constant 10 : i32
      %lt3A_31 = arith.cmpi slt, %arg1, %lt3A : i32
      %convert_element_type3A_32 = arith.extui %lt3A_31 : i1 to i32
      %cond3A_33 = arith.constant 0 : i32
      %cond3A_34 = arith.cmpi ne, %convert_element_type3A_32, %cond3A_33 : i32
      scf.if %cond3A_34 {
        %mul3A_44 = arith.constant 128000 : i32
        %mul3A_45 = arith.muli %arg1, %mul3A_44 : i32
        %mul3A_46 = arith.constant 128000 : i32
        %mul3A_47 = arith.muli %arg1, %mul3A_46 : i32
        "tpu.region"() ({
          %run_scoped3A = tpu.sem_alloc : memref<!tpu.dma_semaphore, #tpu.memory_space<semaphore_mem>>
          %dma_start3A_48 = tpu.memref_slice %arg7[%mul3A_47] : memref<1310720xf32, #tpu.memory_space<hbm>> -> memref<128000xf32, #tpu.memory_space<hbm>>
          %dma_start3A_49 = tpu.memref_slice %arg14[%mul3A_45] : memref<2049040xf32, #tpu.memory_space<vmem_shared>> -> memref<128000xf32, #tpu.memory_space<vmem_shared>>
          tpu.enqueue_dma source(%dma_start3A_49 : memref<128000xf32, #tpu.memory_space<vmem_shared>>) target(%dma_start3A_48 : memref<128000xf32, #tpu.memory_space<hbm>>) target_semaphore(%run_scoped3A : memref<!tpu.dma_semaphore, #tpu.memory_space<semaphore_mem>>)
          %dma_wait3A = tpu.memref_slice %arg7[%mul3A_47] : memref<1310720xf32, #tpu.memory_space<hbm>> -> memref<128000xf32, #tpu.memory_space<hbm>>
          %dma_wait3A_50 = tpu.memref_slice %arg14[%mul3A_45] : memref<2049040xf32, #tpu.memory_space<vmem_shared>> -> memref<128000xf32, #tpu.memory_space<vmem_shared>>
          tpu.wait_dma2 semaphore(%run_scoped3A : memref<!tpu.dma_semaphore, #tpu.memory_space<semaphore_mem>>) src(%dma_wait3A_50 : memref<128000xf32, #tpu.memory_space<vmem_shared>>) dst(%dma_wait3A : memref<128000xf32, #tpu.memory_space<hbm>>)
          tpu.yield
        }) : () -> ()
      } else {
      }
      %eq3A_35 = arith.constant 10 : i32
      %eq3A_36 = arith.cmpi eq, %arg1, %eq3A_35 : i32
      %convert_element_type3A_37 = arith.extui %eq3A_36 : i1 to i32
      %cond3A_38 = arith.constant 0 : i32
      %cond3A_39 = arith.cmpi ne, %convert_element_type3A_37, %cond3A_38 : i32
      scf.if %cond3A_39 {
        "tpu.region"() ({
          %run_scoped3A = tpu.sem_alloc : memref<!tpu.dma_semaphore, #tpu.memory_space<semaphore_mem>>
          %dma_start3A_44 = arith.constant 1280000 : i32
          %dma_start3A_45 = tpu.memref_slice %arg7[%dma_start3A_44] : memref<1310720xf32, #tpu.memory_space<hbm>> -> memref<30720xf32, #tpu.memory_space<hbm>>
          %dma_start3A_46 = arith.constant 1280000 : i32
          %dma_start3A_47 = tpu.memref_slice %arg14[%dma_start3A_46] : memref<2049040xf32, #tpu.memory_space<vmem_shared>> -> memref<30720xf32, #tpu.memory_space<vmem_shared>>
          tpu.enqueue_dma source(%dma_start3A_47 : memref<30720xf32, #tpu.memory_space<vmem_shared>>) target(%dma_start3A_45 : memref<30720xf32, #tpu.memory_space<hbm>>) target_semaphore(%run_scoped3A : memref<!tpu.dma_semaphore, #tpu.memory_space<semaphore_mem>>)
          %dma_wait3A = arith.constant 1280000 : i32
          %dma_wait3A_48 = tpu.memref_slice %arg7[%dma_wait3A] : memref<1310720xf32, #tpu.memory_space<hbm>> -> memref<30720xf32, #tpu.memory_space<hbm>>
          %dma_wait3A_49 = arith.constant 1280000 : i32
          %dma_wait3A_50 = tpu.memref_slice %arg14[%dma_wait3A_49] : memref<2049040xf32, #tpu.memory_space<vmem_shared>> -> memref<30720xf32, #tpu.memory_space<vmem_shared>>
          tpu.wait_dma2 semaphore(%run_scoped3A : memref<!tpu.dma_semaphore, #tpu.memory_space<semaphore_mem>>) src(%dma_wait3A_50 : memref<30720xf32, #tpu.memory_space<vmem_shared>>) dst(%dma_wait3A_48 : memref<30720xf32, #tpu.memory_space<hbm>>)
          tpu.yield
        }) : () -> ()
        "tpu.region"() ({
          %run_scoped3A = tpu.sem_alloc : memref<!tpu.dma_semaphore, #tpu.memory_space<semaphore_mem>>
          %dma_start3A_44 = arith.constant 0 : i32
          %dma_start3A_45 = tpu.memref_slice %arg8[%dma_start3A_44] : memref<737280xf32, #tpu.memory_space<hbm>> -> memref<97280xf32, #tpu.memory_space<hbm>>
          %dma_start3A_46 = arith.constant 1310720 : i32
          %dma_start3A_47 = tpu.memref_slice %arg14[%dma_start3A_46] : memref<2049040xf32, #tpu.memory_space<vmem_shared>> -> memref<97280xf32, #tpu.memory_space<vmem_shared>>
          tpu.enqueue_dma source(%dma_start3A_47 : memref<97280xf32, #tpu.memory_space<vmem_shared>>) target(%dma_start3A_45 : memref<97280xf32, #tpu.memory_space<hbm>>) target_semaphore(%run_scoped3A : memref<!tpu.dma_semaphore, #tpu.memory_space<semaphore_mem>>)
          %dma_wait3A = arith.constant 0 : i32
          %dma_wait3A_48 = tpu.memref_slice %arg8[%dma_wait3A] : memref<737280xf32, #tpu.memory_space<hbm>> -> memref<97280xf32, #tpu.memory_space<hbm>>
          %dma_wait3A_49 = arith.constant 1310720 : i32
          %dma_wait3A_50 = tpu.memref_slice %arg14[%dma_wait3A_49] : memref<2049040xf32, #tpu.memory_space<vmem_shared>> -> memref<97280xf32, #tpu.memory_space<vmem_shared>>
          tpu.wait_dma2 semaphore(%run_scoped3A : memref<!tpu.dma_semaphore, #tpu.memory_space<semaphore_mem>>) src(%dma_wait3A_50 : memref<97280xf32, #tpu.memory_space<vmem_shared>>) dst(%dma_wait3A_48 : memref<97280xf32, #tpu.memory_space<hbm>>)
          tpu.yield
        }) : () -> ()
      } else {
      }
      %gt3A = arith.constant 10 : i32
      %gt3A_40 = arith.cmpi sgt, %arg1, %gt3A : i32
      %convert_element_type3A_41 = arith.extui %gt3A_40 : i1 to i32
      %cond3A_42 = arith.constant 0 : i32
      %cond3A_43 = arith.cmpi ne, %convert_element_type3A_41, %cond3A_42 : i32
      scf.if %cond3A_43 {
        %mul3A_44 = arith.constant 128000 : i32
        %mul3A_45 = arith.muli %arg1, %mul3A_44 : i32
        %sub3A_46 = arith.constant 1310720 : i32
        %sub3A_47 = arith.subi %mul3A_45, %sub3A_46 : i32
        %mul3A_48 = arith.constant 128000 : i32
        %mul3A_49 = arith.muli %arg1, %mul3A_48 : i32
        "tpu.region"() ({
          %run_scoped3A = tpu.sem_alloc : memref<!tpu.dma_semaphore, #tpu.memory_space<semaphore_mem>>
          %dma_start3A_50 = tpu.memref_slice %arg8[%sub3A_47] : memref<737280xf32, #tpu.memory_space<hbm>> -> memref<128000xf32, #tpu.memory_space<hbm>>
          %dma_start3A_51 = tpu.memref_slice %arg14[%mul3A_49] : memref<2049040xf32, #tpu.memory_space<vmem_shared>> -> memref<128000xf32, #tpu.memory_space<vmem_shared>>
          tpu.enqueue_dma source(%dma_start3A_51 : memref<128000xf32, #tpu.memory_space<vmem_shared>>) target(%dma_start3A_50 : memref<128000xf32, #tpu.memory_space<hbm>>) target_semaphore(%run_scoped3A : memref<!tpu.dma_semaphore, #tpu.memory_space<semaphore_mem>>)
          %dma_wait3A = tpu.memref_slice %arg8[%sub3A_47] : memref<737280xf32, #tpu.memory_space<hbm>> -> memref<128000xf32, #tpu.memory_space<hbm>>
          %dma_wait3A_52 = tpu.memref_slice %arg14[%mul3A_49] : memref<2049040xf32, #tpu.memory_space<vmem_shared>> -> memref<128000xf32, #tpu.memory_space<vmem_shared>>
          tpu.wait_dma2 semaphore(%run_scoped3A : memref<!tpu.dma_semaphore, #tpu.memory_space<semaphore_mem>>) src(%dma_wait3A_52 : memref<128000xf32, #tpu.memory_space<vmem_shared>>) dst(%dma_wait3A : memref<128000xf32, #tpu.memory_space<hbm>>)
          tpu.yield
        }) : () -> ()
      } else {
      }
    } else {
    }
    "tpu.trace_stop"() : () -> ()
    return
  }
}

module attributes {stable_mosaic.version = 14 : i64} {
  func.func @_s_body(%arg0: i32, %arg1: memref<1024x256xf32, #tpu.memory_space<vmem>>, %arg2: memref<128x256xf32, #tpu.memory_space<vmem>>, %arg3: memref<72x256xf32, #tpu.memory_space<vmem>>, %arg4: memref<1024x128xf32, #tpu.memory_space<vmem>>, %arg5: memref<72x1024xf32, #tpu.memory_space<vmem>>) attributes {dimension_semantics = [#tpu.dimension_semantics<arbitrary>], iteration_bounds = array<i64: 10>, scalar_prefetch = 0 : i64, scratch_operands = 0 : i64, tpu.core_type = #tpu.core_type<tc>, window_params = [{transform_indices = @transform_0, window_bounds = array<i64: 1024, 256>}, {pipeline_mode = #tpu.pipeline_mode<synchronous>, transform_indices = @transform_1, window_bounds = array<i64: 128, 256>}, {pipeline_mode = #tpu.pipeline_mode<synchronous>, transform_indices = @transform_2, window_bounds = array<i64: 72, 256>}, {transform_indices = @transform_3, window_bounds = array<i64: 1024, 128>}, {transform_indices = @transform_4, window_bounds = array<i64: 72, 1024>}]} {
    %get3A = arith.constant 0 : index
    %get3A_0 = arith.constant 0 : index
    %get3A_1 = vector.load %arg1[%get3A, %get3A_0] : memref<1024x256xf32, #tpu.memory_space<vmem>>, vector<1024x256xf32>
    %get3A_2 = arith.constant 0 : index
    %get3A_3 = arith.constant 0 : index
    %get3A_4 = vector.load %arg2[%get3A_2, %get3A_3] : memref<128x256xf32, #tpu.memory_space<vmem>>, vector<128x256xf32>
    %dot_general3A = arith.constant dense<0.000000e+00> : vector<1024x128xf32>
    %dot_general3A_5 = tpu.matmul %get3A_1, %get3A_4, %dot_general3A {dimension_numbers = #tpu.dot_dimension_numbers<[1], [1], [0], [0], [0, 0, 1, 0], [], []>, precision = #tpu.contract_precision<fp32>, transpose_lhs_hint = false} : vector<1024x256xf32>, vector<128x256xf32>, vector<1024x128xf32> -> vector<1024x128xf32>
    %swap3A = arith.constant 0 : index
    %swap3A_6 = arith.constant 0 : index
    %swap3A_7 = vector.load %arg4[%swap3A, %swap3A_6] : memref<1024x128xf32, #tpu.memory_space<vmem>>, vector<1024x128xf32>
    tpu.vector_store %arg4[%swap3A, %swap3A_6], %dot_general3A_5 {strides = array<i32>} : memref<1024x128xf32, #tpu.memory_space<vmem>>, vector<1024x128xf32>,
    %get3A_8 = arith.constant 0 : index
    %get3A_9 = arith.constant 0 : index
    %get3A_10 = vector.load %arg3[%get3A_8, %get3A_9] : memref<72x256xf32, #tpu.memory_space<vmem>>, vector<72x256xf32>
    %dot_general3A_11 = arith.constant dense<0.000000e+00> : vector<72x1024xf32>
    %dot_general3A_12 = tpu.matmul %get3A_10, %get3A_1, %dot_general3A_11 {dimension_numbers = #tpu.dot_dimension_numbers<[1], [1], [0], [0], [0, 0, 1, 0], [], []>, precision = #tpu.contract_precision<fp32>, transpose_lhs_hint = false} : vector<72x256xf32>, vector<1024x256xf32>, vector<72x1024xf32> -> vector<72x1024xf32>
    %swap3A_13 = arith.constant 0 : index
    %swap3A_14 = arith.constant 0 : index
    %swap3A_15 = vector.load %arg5[%swap3A_13, %swap3A_14] : memref<72x1024xf32, #tpu.memory_space<vmem>>, vector<72x1024xf32>
    tpu.vector_store %arg5[%swap3A_13, %swap3A_14], %dot_general3A_12 {strides = array<i32>} : memref<72x1024xf32, #tpu.memory_space<vmem>>, vector<72x1024xf32>,
    return
  }
  func.func @transform_0(%arg0: i32) -> (i32, i32) {
    %c0_i32 = arith.constant 0 : i32
    %c0_i32_0 = arith.constant 0 : i32
    return %arg0, %c0_i32 : i32, i32
  }
  func.func @transform_1(%arg0: i32) -> (i32, i32) {
    %c0_i32 = arith.constant 0 : i32
    %c0_i32_0 = arith.constant 0 : i32
    %c0_i32_1 = arith.constant 0 : i32
    return %c0_i32, %c0_i32_0 : i32, i32
  }
  func.func @transform_2(%arg0: i32) -> (i32, i32) {
    %c0_i32 = arith.constant 0 : i32
    %c0_i32_0 = arith.constant 0 : i32
    %c0_i32_1 = arith.constant 0 : i32
    return %c0_i32, %c0_i32_0 : i32, i32
  }
  func.func @transform_3(%arg0: i32) -> (i32, i32) {
    %c0_i32 = arith.constant 0 : i32
    %c0_i32_0 = arith.constant 0 : i32
    return %arg0, %c0_i32 : i32, i32
  }
  func.func @transform_4(%arg0: i32) -> (i32, i32) {
    %c0_i32 = arith.constant 0 : i32
    %c0_i32_0 = arith.constant 0 : i32
    return %c0_i32, %arg0 : i32, i32
  }
}

module attributes {stable_mosaic.version = 14 : i64} {
  func.func @_main_body(%arg0: i32, %arg1: memref<1024x128xf32, #tpu.memory_space<vmem>>, %arg2: memref<72x1024xf32, #tpu.memory_space<vmem>>, %arg3: memref<1024x128xf32, #tpu.memory_space<vmem>>, %arg4: memref<72x1024xf32, #tpu.memory_space<vmem>>, %arg5: memref<1024x128xf32, #tpu.memory_space<vmem>>, %arg6: memref<72x1024xf32, #tpu.memory_space<vmem>>, %arg7: memref<200x256xf32, #tpu.memory_space<vmem>>, %arg8: memref<256x256xf32, #tpu.memory_space<vmem>>, %arg9: memref<256x256xf32, #tpu.memory_space<vmem>>, %arg10: memref<1x256xf32, #tpu.memory_space<vmem>>, %arg11: memref<1x256xf32, #tpu.memory_space<vmem>>, %arg12: memref<1024x256xf32, #tpu.memory_space<vmem>>, %arg13: memref<8x256xf32, #tpu.memory_space<vmem>>, %arg14: memref<200x256xf32, #tpu.memory_space<vmem>>, %arg15: memref<200x256xf32, #tpu.memory_space<vmem>>) attributes {dimension_semantics = [#tpu.dimension_semantics<arbitrary>], iteration_bounds = array<i64: 10>, scalar_prefetch = 0 : i64, scratch_operands = 2 : i64, tpu.core_type = #tpu.core_type<tc>, window_params = [{transform_indices = @transform_0, window_bounds = array<i64: 1024, 128>}, {transform_indices = @transform_1, window_bounds = array<i64: 72, 1024>}, {transform_indices = @transform_2, window_bounds = array<i64: 1024, 128>}, {transform_indices = @transform_3, window_bounds = array<i64: 72, 1024>}, {transform_indices = @transform_4, window_bounds = array<i64: 1024, 128>}, {transform_indices = @transform_5, window_bounds = array<i64: 72, 1024>}, {pipeline_mode = #tpu.pipeline_mode<synchronous>, transform_indices = @transform_6, window_bounds = array<i64: 200, 256>}, {pipeline_mode = #tpu.pipeline_mode<synchronous>, transform_indices = @transform_7, window_bounds = array<i64: 256, 256>}, {pipeline_mode = #tpu.pipeline_mode<synchronous>, transform_indices = @transform_8, window_bounds = array<i64: 256, 256>}, {pipeline_mode = #tpu.pipeline_mode<synchronous>, transform_indices = @transform_9, window_bounds = array<i64: 1, 256>}, {pipeline_mode = #tpu.pipeline_mode<synchronous>, transform_indices = @transform_10, window_bounds = array<i64: 1, 256>}, {transform_indices = @transform_11, window_bounds = array<i64: 1024, 256>}, {pipeline_mode = #tpu.pipeline_mode<synchronous>, transform_indices = @transform_12, window_bounds = array<i64: 8, 256>}]} {
    %eq3A = arith.constant 0 : i32
    %eq3A_0 = arith.cmpi eq, %arg0, %eq3A : i32
    %convert_element_type3A = arith.extui %eq3A_0 : i1 to i32
    %cond3A = arith.constant 0 : i32
    %cond3A_1 = arith.cmpi ne, %convert_element_type3A, %cond3A : i32
    scf.if %cond3A_1 {
      %get3A_109 = arith.constant 0 : index
      %get3A_110 = arith.constant 0 : index
      %get3A_111 = vector.load %arg7[%get3A_109, %get3A_110] : memref<200x256xf32, #tpu.memory_space<vmem>>, vector<200x256xf32>
      %get3A_112 = arith.constant 0 : index
      %get3A_113 = arith.constant 0 : index
      %get3A_114 = vector.load %arg8[%get3A_112, %get3A_113] : memref<256x256xf32, #tpu.memory_space<vmem>>, vector<256x256xf32>
      %dot_general3A_115 = arith.constant dense<0.000000e+00> : vector<200x256xf32>
      %dot_general3A_116 = tpu.matmul %get3A_111, %get3A_114, %dot_general3A_115 {dimension_numbers = #tpu.dot_dimension_numbers<[1], [1], [0], [0], [0, 0, 1, 0], [], []>, precision = #tpu.contract_precision<fp32>, transpose_lhs_hint = false} : vector<200x256xf32>, vector<256x256xf32>, vector<200x256xf32> -> vector<200x256xf32>
      %get3A_117 = arith.constant 0 : index
      %get3A_118 = arith.constant 0 : index
      %get3A_119 = vector.load %arg10[%get3A_117, %get3A_118] : memref<1x256xf32, #tpu.memory_space<vmem>>, vector<1x256xf32>
      %add3A_120 = vector.broadcast %get3A_119 : vector<1x256xf32> to vector<200x256xf32>
      %add3A_121 = arith.addf %dot_general3A_116, %add3A_120 : vector<200x256xf32>
      %swap3A_122 = arith.constant 0 : index
      %swap3A_123 = arith.constant 0 : index
      %swap3A_124 = vector.load %arg14[%swap3A_122, %swap3A_123] : memref<200x256xf32, #tpu.memory_space<vmem>>, vector<200x256xf32>
      tpu.vector_store %arg14[%swap3A_122, %swap3A_123], %add3A_121 {strides = array<i32>} : memref<200x256xf32, #tpu.memory_space<vmem>>, vector<200x256xf32>,
      %get3A_125 = arith.constant 0 : index
      %get3A_126 = arith.constant 0 : index
      %get3A_127 = vector.load %arg9[%get3A_125, %get3A_126] : memref<256x256xf32, #tpu.memory_space<vmem>>, vector<256x256xf32>
      %dot_general3A_128 = arith.constant dense<0.000000e+00> : vector<200x256xf32>
      %dot_general3A_129 = tpu.matmul %get3A_111, %get3A_127, %dot_general3A_128 {dimension_numbers = #tpu.dot_dimension_numbers<[1], [1], [0], [0], [0, 0, 1, 0], [], []>, precision = #tpu.contract_precision<fp32>, transpose_lhs_hint = false} : vector<200x256xf32>, vector<256x256xf32>, vector<200x256xf32> -> vector<200x256xf32>
      %get3A_130 = arith.constant 0 : index
      %get3A_131 = arith.constant 0 : index
      %get3A_132 = vector.load %arg11[%get3A_130, %get3A_131] : memref<1x256xf32, #tpu.memory_space<vmem>>, vector<1x256xf32>
      %add3A_133 = vector.broadcast %get3A_132 : vector<1x256xf32> to vector<200x256xf32>
      %add3A_134 = arith.addf %dot_general3A_129, %add3A_133 : vector<200x256xf32>
      %swap3A_135 = arith.constant 0 : index
      %swap3A_136 = arith.constant 0 : index
      %swap3A_137 = vector.load %arg15[%swap3A_135, %swap3A_136] : memref<200x256xf32, #tpu.memory_space<vmem>>, vector<200x256xf32>
      tpu.vector_store %arg15[%swap3A_135, %swap3A_136], %add3A_134 {strides = array<i32>} : memref<200x256xf32, #tpu.memory_space<vmem>>, vector<200x256xf32>,
      %broadcast_in_dim3A_138 = arith.constant 0.000000e+00 : f32
      %broadcast_in_dim3A_139 = vector.broadcast %broadcast_in_dim3A_138 : f32 to vector<8x256xf32>
      %swap3A_140 = arith.constant 0 : index
      %swap3A_141 = arith.constant 0 : index
      %swap3A_142 = vector.load %arg13[%swap3A_140, %swap3A_141] : memref<8x256xf32, #tpu.memory_space<vmem>>, vector<8x256xf32>
      tpu.vector_store %arg13[%swap3A_140, %swap3A_141], %broadcast_in_dim3A_139 {strides = array<i32>} : memref<8x256xf32, #tpu.memory_space<vmem>>, vector<8x256xf32>,
    } else {
    }
    %get3A = arith.constant 0 : index
    %get3A_2 = arith.constant 0 : index
    %get3A_3 = vector.load %arg1[%get3A, %get3A_2] : memref<1024x128xf32, #tpu.memory_space<vmem>>, vector<1024x128xf32>
    %get3A_4 = arith.constant 0 : index
    %get3A_5 = arith.constant 0 : index
    %get3A_6 = vector.load %arg2[%get3A_4, %get3A_5] : memref<72x1024xf32, #tpu.memory_space<vmem>>, vector<72x1024xf32>
    %get3A_7 = arith.constant 0 : index
    %get3A_8 = arith.constant 0 : index
    %get3A_9 = vector.load %arg3[%get3A_7, %get3A_8] : memref<1024x128xf32, #tpu.memory_space<vmem>>, vector<1024x128xf32>
    %get3A_10 = arith.constant 0 : index
    %get3A_11 = arith.constant 0 : index
    %get3A_12 = vector.load %arg5[%get3A_10, %get3A_11] : memref<1024x128xf32, #tpu.memory_space<vmem>>, vector<1024x128xf32>
    %get3A_13 = arith.constant 0 : index
    %get3A_14 = arith.constant 0 : index
    %get3A_15 = vector.load %arg4[%get3A_13, %get3A_14] : memref<72x1024xf32, #tpu.memory_space<vmem>>, vector<72x1024xf32>
    %get3A_16 = arith.constant 0 : index
    %get3A_17 = arith.constant 0 : index
    %get3A_18 = vector.load %arg6[%get3A_16, %get3A_17] : memref<72x1024xf32, #tpu.memory_space<vmem>>, vector<72x1024xf32>
    %add3A = arith.addf %get3A_9, %get3A_12 : vector<1024x128xf32>
    %add3A_19 = arith.addf %get3A_15, %get3A_18 : vector<72x1024xf32>
    %gt3A = arith.constant 0.000000e+00 : f32
    %gt3A_20 = vector.broadcast %gt3A : f32 to vector<1024x128xf32>
    %gt3A_21 = arith.cmpf ogt, %add3A, %gt3A_20 : vector<1024x128xf32>
    %jit3A = arith.constant -1.000000e+30 : f32
    %broadcast_in_dim3A = vector.broadcast %jit3A : f32 to vector<1024x128xf32>
    %select_n3A = arith.select %gt3A_21, %get3A_3, %broadcast_in_dim3A : vector<1024x128xi1>, vector<1024x128xf32>
    %gt3A_22 = arith.constant 0.000000e+00 : f32
    %gt3A_23 = vector.broadcast %gt3A_22 : f32 to vector<72x1024xf32>
    %gt3A_24 = arith.cmpf ogt, %add3A_19, %gt3A_23 : vector<72x1024xf32>
    %jit3A_25 = arith.constant -1.000000e+30 : f32
    %broadcast_in_dim3A_26 = vector.broadcast %jit3A_25 : f32 to vector<72x1024xf32>
    %select_n3A_27 = arith.select %gt3A_24, %get3A_6, %broadcast_in_dim3A_26 : vector<72x1024xi1>, vector<72x1024xf32>
    %reduce_max3A = arith.constant dense<0xFF800000> : vector<1024xf32>
    %reduce_max3A_28 = vector.multi_reduction <maximumf>, %select_n3A, %reduce_max3A [1] : vector<1024x128xf32> to vector<1024xf32>
    %broadcast_in_dim3A_29 = vector.shape_cast %reduce_max3A_28 : vector<1024xf32> to vector<1024x1xf32>
    %reduce_max3A_30 = arith.constant dense<0xFF800000> : vector<1024xf32>
    %reduce_max3A_31 = vector.multi_reduction <maximumf>, %select_n3A_27, %reduce_max3A_30 [0] : vector<72x1024xf32> to vector<1024xf32>
    %broadcast_in_dim3A_32 = vector.shape_cast %reduce_max3A_31 : vector<1024xf32> to vector<1x1024xf32>
    %transpose3A = tpu.transpose %broadcast_in_dim3A_32, [1, 0] : vector<1x1024xf32> -> vector<1024x1xf32>
    %max3A = arith.maximumf %broadcast_in_dim3A_29, %transpose3A : vector<1024x1xf32>
    %transpose3A_33 = tpu.transpose %max3A, [1, 0] : vector<1024x1xf32> -> vector<1x1024xf32>
    %sub3A = vector.broadcast %max3A : vector<1024x1xf32> to vector<1024x128xf32>
    %sub3A_34 = arith.subf %select_n3A, %sub3A : vector<1024x128xf32>
    %exp3A = math.exp %sub3A_34 : vector<1024x128xf32>
    %sub3A_35 = vector.broadcast %transpose3A_33 : vector<1x1024xf32> to vector<72x1024xf32>
    %sub3A_36 = arith.subf %select_n3A_27, %sub3A_35 : vector<72x1024xf32>
    %exp3A_37 = math.exp %sub3A_36 : vector<72x1024xf32>
    %mul3A = arith.mulf %add3A, %exp3A : vector<1024x128xf32>
    %mul3A_38 = arith.mulf %add3A_19, %exp3A_37 : vector<72x1024xf32>
    %reduce_sum3A = arith.constant dense<0.000000e+00> : vector<1024xf32>
    %reduce_sum3A_39 = vector.multi_reduction <add>, %mul3A, %reduce_sum3A [1] : vector<1024x128xf32> to vector<1024xf32>
    %broadcast_in_dim3A_40 = vector.shape_cast %reduce_sum3A_39 : vector<1024xf32> to vector<1024x1xf32>
    %reduce_sum3A_41 = arith.constant dense<0.000000e+00> : vector<1024xf32>
    %reduce_sum3A_42 = vector.multi_reduction <add>, %mul3A_38, %reduce_sum3A_41 [0] : vector<72x1024xf32> to vector<1024xf32>
    %broadcast_in_dim3A_43 = vector.shape_cast %reduce_sum3A_42 : vector<1024xf32> to vector<1x1024xf32>
    %transpose3A_44 = tpu.transpose %broadcast_in_dim3A_43, [1, 0] : vector<1x1024xf32> -> vector<1024x1xf32>
    %add3A_45 = arith.addf %broadcast_in_dim3A_40, %transpose3A_44 : vector<1024x1xf32>
    %gt3A_46 = arith.constant 0.000000e+00 : f32
    %gt3A_47 = vector.broadcast %gt3A_46 : f32 to vector<1024x1xf32>
    %gt3A_48 = arith.cmpf ogt, %add3A_45, %gt3A_47 : vector<1024x1xf32>
    %jit3A_49 = arith.constant 1.000000e+00 : f32
    %broadcast_in_dim3A_50 = vector.broadcast %jit3A_49 : f32 to vector<1024x1xf32>
    %select_n3A_51 = arith.select %gt3A_48, %add3A_45, %broadcast_in_dim3A_50 : vector<1024x1xi1>, vector<1024x1xf32>
    %transpose3A_52 = tpu.transpose %select_n3A_51, [1, 0] : vector<1024x1xf32> -> vector<1x1024xf32>
    %mul3A_53 = arith.mulf %get3A_9, %exp3A : vector<1024x128xf32>
    %div3A = vector.broadcast %select_n3A_51 : vector<1024x1xf32> to vector<1024x128xf32>
    %div3A_54 = arith.divf %mul3A_53, %div3A : vector<1024x128xf32>
    %mul3A_55 = arith.mulf %get3A_12, %exp3A : vector<1024x128xf32>
    %div3A_56 = vector.broadcast %select_n3A_51 : vector<1024x1xf32> to vector<1024x128xf32>
    %div3A_57 = arith.divf %mul3A_55, %div3A_56 : vector<1024x128xf32>
    %mul3A_58 = arith.mulf %get3A_15, %exp3A_37 : vector<72x1024xf32>
    %div3A_59 = vector.broadcast %transpose3A_52 : vector<1x1024xf32> to vector<72x1024xf32>
    %div3A_60 = arith.divf %mul3A_58, %div3A_59 : vector<72x1024xf32>
    %mul3A_61 = arith.mulf %get3A_18, %exp3A_37 : vector<72x1024xf32>
    %div3A_62 = vector.broadcast %transpose3A_52 : vector<1x1024xf32> to vector<72x1024xf32>
    %div3A_63 = arith.divf %mul3A_61, %div3A_62 : vector<72x1024xf32>
    %get3A_64 = arith.constant 0 : index
    %get3A_65 = arith.constant 0 : index
    %get3A_66 = vector.load %arg14[%get3A_64, %get3A_65] : memref<200x256xf32, #tpu.memory_space<vmem>>, vector<128x256xf32>
    %dot_general3A = arith.constant dense<0.000000e+00> : vector<1024x256xf32>
    %dot_general3A_67 = tpu.matmul %div3A_54, %get3A_66, %dot_general3A {dimension_numbers = #tpu.dot_dimension_numbers<[1], [0], [0], [1], [0, 0, 1, 1], [], []>, transpose_lhs_hint = false} : vector<1024x128xf32>, vector<128x256xf32>, vector<1024x256xf32> -> vector<1024x256xf32>
    %get3A_68 = arith.constant 0 : index
    %get3A_69 = arith.constant 0 : index
    %get3A_70 = vector.load %arg15[%get3A_68, %get3A_69] : memref<200x256xf32, #tpu.memory_space<vmem>>, vector<128x256xf32>
    %dot_general3A_71 = arith.constant dense<0.000000e+00> : vector<1024x256xf32>
    %dot_general3A_72 = tpu.matmul %div3A_57, %get3A_70, %dot_general3A_71 {dimension_numbers = #tpu.dot_dimension_numbers<[1], [0], [0], [1], [0, 0, 1, 1], [], []>, transpose_lhs_hint = false} : vector<1024x128xf32>, vector<128x256xf32>, vector<1024x256xf32> -> vector<1024x256xf32>
    %add3A_73 = arith.addf %dot_general3A_67, %dot_general3A_72 : vector<1024x256xf32>
    %get3A_74 = arith.constant 128 : index
    %get3A_75 = arith.constant 0 : index
    %get3A_76 = vector.load %arg14[%get3A_74, %get3A_75] : memref<200x256xf32, #tpu.memory_space<vmem>>, vector<72x256xf32>
    %dot_general3A_77 = arith.constant dense<0.000000e+00> : vector<1024x256xf32>
    %dot_general3A_78 = tpu.matmul %div3A_60, %get3A_76, %dot_general3A_77 {dimension_numbers = #tpu.dot_dimension_numbers<[0], [0], [1], [1], [0, 1, 1, 1], [], []>, transpose_lhs_hint = false} : vector<72x1024xf32>, vector<72x256xf32>, vector<1024x256xf32> -> vector<1024x256xf32>
    %add3A_79 = arith.addf %add3A_73, %dot_general3A_78 : vector<1024x256xf32>
    %get3A_80 = arith.constant 128 : index
    %get3A_81 = arith.constant 0 : index
    %get3A_82 = vector.load %arg15[%get3A_80, %get3A_81] : memref<200x256xf32, #tpu.memory_space<vmem>>, vector<72x256xf32>
    %dot_general3A_83 = arith.constant dense<0.000000e+00> : vector<1024x256xf32>
    %dot_general3A_84 = tpu.matmul %div3A_63, %get3A_82, %dot_general3A_83 {dimension_numbers = #tpu.dot_dimension_numbers<[0], [0], [1], [1], [0, 1, 1, 1], [], []>, transpose_lhs_hint = false} : vector<72x1024xf32>, vector<72x256xf32>, vector<1024x256xf32> -> vector<1024x256xf32>
    %add3A_85 = arith.addf %add3A_79, %dot_general3A_84 : vector<1024x256xf32>
    %swap3A = arith.constant 0 : index
    %swap3A_86 = arith.constant 0 : index
    %swap3A_87 = vector.load %arg12[%swap3A, %swap3A_86] : memref<1024x256xf32, #tpu.memory_space<vmem>>, vector<1024x256xf32>
    tpu.vector_store %arg12[%swap3A, %swap3A_86], %add3A_85 {strides = array<i32>} : memref<1024x256xf32, #tpu.memory_space<vmem>>, vector<1024x256xf32>,
    %get3A_88 = arith.constant 0 : index
    %get3A_89 = arith.constant 0 : index
    %get3A_90 = vector.load %arg13[%get3A_88, %get3A_89] : memref<8x256xf32, #tpu.memory_space<vmem>>, vector<1x256xf32>
    %reduce_sum3A_91 = arith.constant dense<0.000000e+00> : vector<256xf32>
    %reduce_sum3A_92 = vector.multi_reduction <add>, %add3A_85, %reduce_sum3A_91 [0] : vector<1024x256xf32> to vector<256xf32>
    %broadcast_in_dim3A_93 = vector.shape_cast %reduce_sum3A_92 : vector<256xf32> to vector<1x256xf32>
    %add3A_94 = arith.addf %get3A_90, %broadcast_in_dim3A_93 : vector<1x256xf32>
    %swap3A_95 = arith.constant 0 : index
    %swap3A_96 = arith.constant 0 : index
    %swap3A_97 = vector.load %arg13[%swap3A_95, %swap3A_96] : memref<8x256xf32, #tpu.memory_space<vmem>>, vector<1x256xf32>
    tpu.vector_store %arg13[%swap3A_95, %swap3A_96], %add3A_94 {strides = array<i32>} : memref<8x256xf32, #tpu.memory_space<vmem>>, vector<1x256xf32>,
    %get3A_98 = arith.constant 1 : index
    %get3A_99 = arith.constant 0 : index
    %get3A_100 = vector.load %arg13[%get3A_98, %get3A_99] : memref<8x256xf32, #tpu.memory_space<vmem>>, vector<1x256xf32>
    %mul3A_101 = arith.mulf %add3A_85, %add3A_85 : vector<1024x256xf32>
    %reduce_sum3A_102 = arith.constant dense<0.000000e+00> : vector<256xf32>
    %reduce_sum3A_103 = vector.multi_reduction <add>, %mul3A_101, %reduce_sum3A_102 [0] : vector<1024x256xf32> to vector<256xf32>
    %broadcast_in_dim3A_104 = vector.shape_cast %reduce_sum3A_103 : vector<256xf32> to vector<1x256xf32>
    %add3A_105 = arith.addf %get3A_100, %broadcast_in_dim3A_104 : vector<1x256xf32>
    %swap3A_106 = arith.constant 1 : index
    %swap3A_107 = arith.constant 0 : index
    %swap3A_108 = vector.load %arg13[%swap3A_106, %swap3A_107] : memref<8x256xf32, #tpu.memory_space<vmem>>, vector<1x256xf32>
    tpu.vector_store %arg13[%swap3A_106, %swap3A_107], %add3A_105 {strides = array<i32>} : memref<8x256xf32, #tpu.memory_space<vmem>>, vector<1x256xf32>,
    return
  }
  func.func @transform_0(%arg0: i32) -> (i32, i32) {
    %c0_i32 = arith.constant 0 : i32
    %c0_i32_0 = arith.constant 0 : i32
    return %arg0, %c0_i32 : i32, i32
  }
  func.func @transform_1(%arg0: i32) -> (i32, i32) {
    %c0_i32 = arith.constant 0 : i32
    %c0_i32_0 = arith.constant 0 : i32
    return %c0_i32, %arg0 : i32, i32
  }
  func.func @transform_2(%arg0: i32) -> (i32, i32) {
    %c0_i32 = arith.constant 0 : i32
    %c0_i32_0 = arith.constant 0 : i32
    return %arg0, %c0_i32 : i32, i32
  }
  func.func @transform_3(%arg0: i32) -> (i32, i32) {
    %c0_i32 = arith.constant 0 : i32
    %c0_i32_0 = arith.constant 0 : i32
    return %c0_i32, %arg0 : i32, i32
  }
  func.func @transform_4(%arg0: i32) -> (i32, i32) {
    %c0_i32 = arith.constant 0 : i32
    %c0_i32_0 = arith.constant 0 : i32
    return %arg0, %c0_i32 : i32, i32
  }
  func.func @transform_5(%arg0: i32) -> (i32, i32) {
    %c0_i32 = arith.constant 0 : i32
    %c0_i32_0 = arith.constant 0 : i32
    return %c0_i32, %arg0 : i32, i32
  }
  func.func @transform_6(%arg0: i32) -> (i32, i32) {
    %c0_i32 = arith.constant 0 : i32
    %c0_i32_0 = arith.constant 0 : i32
    %c0_i32_1 = arith.constant 0 : i32
    return %c0_i32, %c0_i32_0 : i32, i32
  }
  func.func @transform_7(%arg0: i32) -> (i32, i32) {
    %c0_i32 = arith.constant 0 : i32
    %c0_i32_0 = arith.constant 0 : i32
    %c0_i32_1 = arith.constant 0 : i32
    return %c0_i32, %c0_i32_0 : i32, i32
  }
  func.func @transform_8(%arg0: i32) -> (i32, i32) {
    %c0_i32 = arith.constant 0 : i32
    %c0_i32_0 = arith.constant 0 : i32
    %c0_i32_1 = arith.constant 0 : i32
    return %c0_i32, %c0_i32_0 : i32, i32
  }
  func.func @transform_9(%arg0: i32) -> (i32, i32) {
    %c0_i32 = arith.constant 0 : i32
    %c0_i32_0 = arith.constant 0 : i32
    %c0_i32_1 = arith.constant 0 : i32
    return %c0_i32, %c0_i32_0 : i32, i32
  }
  func.func @transform_10(%arg0: i32) -> (i32, i32) {
    %c0_i32 = arith.constant 0 : i32
    %c0_i32_0 = arith.constant 0 : i32
    %c0_i32_1 = arith.constant 0 : i32
    return %c0_i32, %c0_i32_0 : i32, i32
  }
  func.func @transform_11(%arg0: i32) -> (i32, i32) {
    %c0_i32 = arith.constant 0 : i32
    %c0_i32_0 = arith.constant 0 : i32
    return %arg0, %c0_i32 : i32, i32
  }
  func.func @transform_12(%arg0: i32) -> (i32, i32) {
    %c0_i32 = arith.constant 0 : i32
    %c0_i32_0 = arith.constant 0 : i32
    %c0_i32_1 = arith.constant 0 : i32
    return %c0_i32, %c0_i32_0 : i32, i32
  }
}

module attributes {stable_mosaic.version = 14 : i64} {
  func.func @_bn_body(%arg0: i32, %arg1: memref<1000x256xf32, #tpu.memory_space<vmem>>, %arg2: memref<8x256xf32, #tpu.memory_space<vmem>>, %arg3: memref<1x256xf32, #tpu.memory_space<vmem>>, %arg4: memref<1x256xf32, #tpu.memory_space<vmem>>, %arg5: memref<1000x256xf32, #tpu.memory_space<vmem>>) attributes {dimension_semantics = [#tpu.dimension_semantics<arbitrary>], iteration_bounds = array<i64: 10>, scalar_prefetch = 0 : i64, scratch_operands = 0 : i64, tpu.core_type = #tpu.core_type<tc>, window_params = [{transform_indices = @transform_0, window_bounds = array<i64: 1000, 256>}, {pipeline_mode = #tpu.pipeline_mode<synchronous>, transform_indices = @transform_1, window_bounds = array<i64: 8, 256>}, {pipeline_mode = #tpu.pipeline_mode<synchronous>, transform_indices = @transform_2, window_bounds = array<i64: 1, 256>}, {pipeline_mode = #tpu.pipeline_mode<synchronous>, transform_indices = @transform_3, window_bounds = array<i64: 1, 256>}, {transform_indices = @transform_4, window_bounds = array<i64: 1000, 256>}]} {
    %get3A = arith.constant 0 : index
    %get3A_0 = arith.constant 0 : index
    %get3A_1 = vector.load %arg2[%get3A, %get3A_0] : memref<8x256xf32, #tpu.memory_space<vmem>>, vector<1x256xf32>
    %div3A = arith.constant 1.000000e+04 : f32
    %div3A_2 = vector.broadcast %div3A : f32 to vector<1x256xf32>
    %div3A_3 = arith.divf %get3A_1, %div3A_2 : vector<1x256xf32>
    %get3A_4 = arith.constant 1 : index
    %get3A_5 = arith.constant 0 : index
    %get3A_6 = vector.load %arg2[%get3A_4, %get3A_5] : memref<8x256xf32, #tpu.memory_space<vmem>>, vector<1x256xf32>
    %div3A_7 = arith.constant 1.000000e+04 : f32
    %div3A_8 = vector.broadcast %div3A_7 : f32 to vector<1x256xf32>
    %div3A_9 = arith.divf %get3A_6, %div3A_8 : vector<1x256xf32>
    %mul3A = arith.mulf %div3A_3, %div3A_3 : vector<1x256xf32>
    %sub3A = arith.subf %div3A_9, %mul3A : vector<1x256xf32>
    %add3A = arith.constant 9.99999974E-6 : f32
    %add3A_10 = vector.broadcast %add3A : f32 to vector<1x256xf32>
    %add3A_11 = arith.addf %sub3A, %add3A_10 : vector<1x256xf32>
    %rsqrt3A = math.rsqrt %add3A_11 : vector<1x256xf32>
    %get3A_12 = arith.constant 0 : index
    %get3A_13 = arith.constant 0 : index
    %get3A_14 = vector.load %arg1[%get3A_12, %get3A_13] : memref<1000x256xf32, #tpu.memory_space<vmem>>, vector<1000x256xf32>
    %sub3A_15 = vector.broadcast %div3A_3 : vector<1x256xf32> to vector<1000x256xf32>
    %sub3A_16 = arith.subf %get3A_14, %sub3A_15 : vector<1000x256xf32>
    %mul3A_17 = vector.broadcast %rsqrt3A : vector<1x256xf32> to vector<1000x256xf32>
    %mul3A_18 = arith.mulf %sub3A_16, %mul3A_17 : vector<1000x256xf32>
    %get3A_19 = arith.constant 0 : index
    %get3A_20 = arith.constant 0 : index
    %get3A_21 = vector.load %arg3[%get3A_19, %get3A_20] : memref<1x256xf32, #tpu.memory_space<vmem>>, vector<1x256xf32>
    %mul3A_22 = vector.broadcast %get3A_21 : vector<1x256xf32> to vector<1000x256xf32>
    %mul3A_23 = arith.mulf %mul3A_18, %mul3A_22 : vector<1000x256xf32>
    %get3A_24 = arith.constant 0 : index
    %get3A_25 = arith.constant 0 : index
    %get3A_26 = vector.load %arg4[%get3A_24, %get3A_25] : memref<1x256xf32, #tpu.memory_space<vmem>>, vector<1x256xf32>
    %add3A_27 = vector.broadcast %get3A_26 : vector<1x256xf32> to vector<1000x256xf32>
    %add3A_28 = arith.addf %mul3A_23, %add3A_27 : vector<1000x256xf32>
    %tanh3A = math.tanh %add3A_28 : vector<1000x256xf32>
    %swap3A = arith.constant 0 : index
    %swap3A_29 = arith.constant 0 : index
    %swap3A_30 = vector.load %arg5[%swap3A, %swap3A_29] : memref<1000x256xf32, #tpu.memory_space<vmem>>, vector<1000x256xf32>
    tpu.vector_store %arg5[%swap3A, %swap3A_29], %tanh3A {strides = array<i32>} : memref<1000x256xf32, #tpu.memory_space<vmem>>, vector<1000x256xf32>,
    return
  }
  func.func @transform_0(%arg0: i32) -> (i32, i32) {
    %c0_i32 = arith.constant 0 : i32
    %c0_i32_0 = arith.constant 0 : i32
    return %arg0, %c0_i32 : i32, i32
  }
  func.func @transform_1(%arg0: i32) -> (i32, i32) {
    %c0_i32 = arith.constant 0 : i32
    %c0_i32_0 = arith.constant 0 : i32
    %c0_i32_1 = arith.constant 0 : i32
    return %c0_i32, %c0_i32_0 : i32, i32
  }
  func.func @transform_2(%arg0: i32) -> (i32, i32) {
    %c0_i32 = arith.constant 0 : i32
    %c0_i32_0 = arith.constant 0 : i32
    %c0_i32_1 = arith.constant 0 : i32
    return %c0_i32, %c0_i32_0 : i32, i32
  }
  func.func @transform_3(%arg0: i32) -> (i32, i32) {
    %c0_i32 = arith.constant 0 : i32
    %c0_i32_0 = arith.constant 0 : i32
    %c0_i32_1 = arith.constant 0 : i32
    return %c0_i32, %c0_i32_0 : i32, i32
  }
  func.func @transform_4(%arg0: i32) -> (i32, i32) {
    %c0_i32 = arith.constant 0 : i32
    %c0_i32_0 = arith.constant 0 : i32
    return %arg0, %c0_i32 : i32, i32
  }
}

</mosaic_0001>

<sc_bundles>
// kernel: kernel.6.cloned.1.call-start
scs
__scs_entry_jumppad:
0x0: {  	(pc) =	sbr.rel $0x88, $3  }
0x1: {  	(tag) =	ssettag $0x0;
	lr =	simm.s32 $0x1  }
0x2: {  	[smem:$0x3F96] =	sst lr;
	_ =	strace $0xD0000000  }
0x3: {  	_ = 	snop  }
0x4: {  	_ = 	snop  }
0x5: {  	_ = 	snop  }
0x6: {  	_ = 	snop  }
0x7: {  	_ = 	snop  }
__scs_overlays_trampoline_lowered:
0x8: {  	[smem:$0x3FA5] =	sst s0  }
0x9: {  	[smem:$0x3FA6] =	sst s1  }
0xa: {  	[smem:$0x3FA7] =	sst s2  }
0xb: {  	[smem:$0x3FA8] =	sst s3  }
0xc: {  	[smem:$0x3FA9] =	sst s4  }
0xd: {  	[smem:$0x3FAA] =	sst s5  }
0xe: {  	[smem:$0x3FAB] =	sst s6  }
0xf: {  	[smem:$0x3FAC] =	sst s7  }
0x10: {  	[smem:$0x3FAD] =	sst s8  }
0x11: {  	[smem:$0x3FAE] =	sst s9;
	s0 =	simm.s32 @!p0 $0x0  }
0x12: {  	s1 =	sld [smem:$0x3F94];
	s0 =	simm.s32 @p0 $0x1  }
0x13: {  	[smem:$0x3FAF] =	sst s0;
	s0 =	simm.s32 @!p1 $0x0  }
0x14: {  	s2 =	sld [smem:$0x3F93];
	s0 =	simm.s32 @p1 $0x1  }
0x15: {  	[smem:$0x3FB0] =	sst s0;
	s0 =	simm.s32 @!p2 $0x0  }
0x16: {  	s3 =	sld [smem:$0x3FDB];
	s0 =	simm.s32 @p2 $0x1  }
0x17: {  	s4 =	simm.s32 $0x1BF5;
	[smem:$0x3FB2] =	sst s0  }
0x18: {  	s0 =	sld [smem:$0x3F95];
	_ =	swait.ge [sflag:s4], $0x0  }
0x19: {  	s7 =	sld [smem:$0x3F96]  }
0x1a: {  	s8 =	sadd.s32 $0xFFFFE003, lr  }
0x1b: {  	s9 =	sadd.s32 $0xFFFFFEF7, lr;
	s5 =	simm.s32 $0xFFFFFFFF;
	p2 =	slt.u32 s8, $0xFFFFF086  }
0x1c: {  	p1 =	slt.u32 s9, $0xF7A;
	s5 =	simm.s32 @!p2 $0x0  }
0x1d: {  	s5 =	simm.s32 @p1 $0x1;
	p0 =	seq.s32 s7, s2  }
0x1e: {  	s7 =	smul.u32 @!p0 $0xF7A, s2;
	p2 =	seq.s32 @!p0 s5, $0x0  }
0x1f: {  	s9 =	smul.u32 $0xF7A, s1;
	s8 =	simm.s32 @!p0 $0x1BF5;
	p2 =	por !p2, p0  }
0x20: {  	[sflag:s8] =	ssyncset.s32 @!p0 $0xFFFFF086;
	s6 =	sadd.s32 @!p0 s3, s7;
	s7 =	simm.s32 @!p0 $0x108  }
0x21: {  	s3 =	sadd.s32 s3, s9;
	s6 =	sadd.s32 @!p0 $0x88, s6;
	s7 =	simm.s32 @p2 $0x1082  }
0x22: {  	[simem:s7], [sflag:s8] =	dma.local @!p0 [hbm:s6], $0xF7A  }
0x23: {  	s9 =	sor.u32 $0xD0000000, s2;
	s6 =	simm.s32 $0x108;
	_ =	swait.ge @!p0 [sflag:s8], $0x0  }
0x24: {  	s3 =	sadd.s32 $0x88, s3;
	s6 =	simm.s32 @!p1 $0x1082;
	[sflag:s4] =	ssyncset.s32 $0xFFFFF086  }
0x25: {  	[simem:s6], [sflag:s4] =	dma.local [hbm:s3], $0xF7A  }
0x26: {  	[smem:$0x3F96] =	sst s1;
	(tag) =	ssettag s2;
	_ =	strace s9  }
0x27: {  	s1 =	sld [smem:$0x3FA6]  }
0x28: {  	s2 =	sld [smem:$0x3FA7]  }
0x29: {  	s4 =	sld [smem:$0x3FA9]  }
0x2a: {  	p0 =	seq.s32 s5, $0x0;
	s5 =	sld [smem:$0x3FAA]  }
0x2b: {  	s6 =	sld [smem:$0x3FAB]  }
0x2c: {  	s7 =	sld [smem:$0x3FAC]  }
0x2d: {  	s3 =	simm.s32 $0x108;
	s8 =	sld [smem:$0x3FAD]  }
0x2e: {  	s3 =	simm.s32 @!p0 $0x1082;
	s9 =	sld [smem:$0x3FAE]  }
0x2f: {  	lr =	sadd.s32 s0, s3;
	s0 =	sld [smem:$0x3FA5]  }
0x30: {  	s3 =	sld [smem:$0x3FA8]  }
0x31: {  	[smem:$0x3FB1] =	sst s10  }
0x32: {  	s10 =	sld [smem:$0x3FAF];
	_ =	sdelay $0x3  }
0x33: {  	p0 =	seq.s32 s10, $0x1;
	s10 =	sld [smem:$0x3FB1];
	_ =	sdelay $0x3  }
0x34: {  	[smem:$0x3FB1] =	sst s10  }
0x35: {  	s10 =	sld [smem:$0x3FB0];
	_ =	sdelay $0x3  }
0x36: {  	p1 =	seq.s32 s10, $0x1;
	s10 =	sld [smem:$0x3FB1];
	_ =	sdelay $0x3  }
0x37: {  	[smem:$0x3FB1] =	sst s10  }
0x38: {  	s10 =	sld [smem:$0x3FB2]  }
0x39: {  	_ = 	snop;
	(pc) =	sbr.ind lr, $3  }
0x3a: {  	_ = 	snop  }
0x3b: {  	_ = 	snop  }
0x3c: {  	p2 =	seq.s32 s10, $0x1;
	s10 =	sld [smem:$0x3FB1]  }
0x3d: {  	_ =	shalt  }
0x3e: {  	_ =	shalt  }
0x3f: {  	_ =	shalt  }
0x40: {  	_ =	shalt  }
0x41: {  	_ =	shalt  }
0x42: {  	_ =	shalt  }
0x43: {  	_ =	shalt  }
0x44: {  	_ =	shalt  }
0x45: {  	_ =	shalt  }
0x46: {  	_ =	shalt  }
0x47: {  	_ =	shalt  }
0x48: {  	_ =	shalt  }
0x49: {  	_ =	shalt  }
0x4a: {  	_ =	shalt  }
0x4b: {  	_ =	shalt  }
0x4c: {  	_ =	shalt  }
0x4d: {  	_ =	shalt  }
0x4e: {  	_ =	shalt  }
0x4f: {  	_ =	shalt  }
0x50: {  	_ =	shalt  }
0x51: {  	_ =	shalt  }
0x52: {  	_ =	shalt  }
0x53: {  	_ =	shalt  }
0x54: {  	_ =	shalt  }
0x55: {  	_ =	shalt  }
0x56: {  	_ =	shalt  }
0x57: {  	_ =	shalt  }
0x58: {  	_ =	shalt  }
0x59: {  	_ =	shalt  }
0x5a: {  	_ =	shalt  }
0x5b: {  	_ =	shalt  }
0x5c: {  	_ =	shalt  }
0x5d: {  	_ =	shalt  }
0x5e: {  	_ =	shalt  }
0x5f: {  	_ =	shalt  }
0x60: {  	_ =	shalt  }
0x61: {  	_ =	shalt  }
0x62: {  	_ =	shalt  }
0x63: {  	_ =	shalt  }
0x64: {  	_ =	shalt  }
0x65: {  	_ =	shalt  }
0x66: {  	_ =	shalt  }
0x67: {  	_ =	shalt  }
0x68: {  	_ =	shalt  }
0x69: {  	_ =	shalt  }
0x6a: {  	_ =	shalt  }
0x6b: {  	_ =	shalt  }
0x6c: {  	_ =	shalt  }
0x6d: {  	_ =	shalt  }
0x6e: {  	_ =	shalt  }
0x6f: {  	_ =	shalt  }
0x70: {  	_ =	shalt  }
0x71: {  	_ =	shalt  }
0x72: {  	_ =	shalt  }
0x73: {  	_ =	shalt  }
0x74: {  	_ =	shalt  }
0x75: {  	_ =	shalt  }
0x76: {  	_ =	shalt  }
0x77: {  	_ =	shalt  }
0x78: {  	_ =	shalt  }
0x79: {  	_ =	shalt  }
0x7a: {  	_ =	shalt  }
0x7b: {  	_ =	shalt  }
0x7c: {  	_ =	shalt  }
0x7d: {  	_ =	shalt  }
0x7e: {  	_ =	shalt  }
0x7f: {  	_ =	shalt  }
0x80: {  	_ =	shalt  }
0x81: {  	_ =	shalt  }
0x82: {  	_ =	shalt  }
0x83: {  	_ =	shalt  }
0x84: {  	_ =	shalt  }
0x85: {  	_ =	shalt  }
0x86: {  	_ =	shalt  }
0x87: {  	_ =	shalt  }
.Lfunc_end0:
.L_simem_size_0:
called_computation_lowered:
.L_overlay_start_0:
0x88: {  	s2 =	sld [smem:$0x3FD9]  }
0x89: {  	s3 =	sld [smem:$0x3FFE];
	_ =	sdelay $0x1  }
0x8a: {  	s1 =	srdreg.scid  }
0x8b: {  	s0 =	sand.u32 $0x1, s1  }
0x8c: {  	s17 =	sshll.u32 s0, $0xA;
	s2 =	sadd.s32 s3, s2  }
0x8d: {  	s2 =	sadd.s32 s2, s17  }
0x8e: {  	[smem:$0x3FBD] =	sst s2  }
0x8f: {  	_ = 	snop  }
0x90: {  	s2 =	sld [smem:$0x3FD0];
	(tm) =	ssettm $0x1  }
0x91: {  	s18 =	sld [smem:$0x3FFB];
	_ =	sdelay $0x3  }
0x92: {  	_ =	strace s18  }
0x93: {  	s3 =	sld [smem:$0x3FFC];
	_ =	sdelay $0x3  }
0x94: {  	_ =	strace s3  }
0x95: {  	s3 =	sld [smem:$0x3FFD];
	_ =	sdelay $0x3  }
0x96: {  	_ =	strace s3  }
0x97: {  	_ =	strace $0x8FFFFFFF  }
0x98: {  	s19 =	sld [smem:$0x3FDB];
	_ =	sdelay $0x1  }
0x99: {  	s4 =	simm.s32 $_scs_section_size  }
0x9a: {  	s5 =	simm.s32 $_size__tile_overlayer_lowered;
	s6 =	simm.s32 $_tile_overlayer_lowered  }
0x9b: {  	s22 =	simm.s32 $0x1BFF;
	s21 =	sshll.u32 s6, $0x1;
	s3 =	sadd.s32 s4, s19  }
0x9c: {  	s7 =	simm.s32 $0x0;
	s20 =	sshll.u32 s5, $0x1;
	s5 =	sadd.s32 s21, s3  }
0x9d: {  	[timem:s7], [sflag:s22] =	dma.local [hbm:s5], s20  }
0x9e: {  	_ =	swait.ge [sflag:s22], s20  }
0x9f: {  	s4 =	ssub.s32 $0x0, s20;
	[sflag:s22] =	ssyncset.done $0x0  }
0xa0: {  	[sflag:s22] =	ssyncadd.s32 s4;
	_ =	sdelay $0x1  }
0xa1: {  	s23 =	simm.s32 $0x1B8B  }
0xa2: {  	_ =	swait.ge [sflag:s23], $0x1  }
0xa3: {  	[sflag:s23] =	ssyncset.done $0x0  }
0xa4: {  	s25 =	simm.s32 $0x1B8E;
	s24 =	sld [smem:$0x3FFE];
	[sflag:s23] =	ssyncadd.s32 $0xFFFFFFFF  }
0xa5: {  	s26 =	simm.s32 $execute0_lowered;
	[smem:$0x3FD2] =	sst s25  }
0xa6: {  	s5 =	sshll.u32 s26, $0x1;
	_ =	strace $0x80000046;
	[dreg:$0x1] =	wrdreg $0xFFFFFFFF  }
0xa7: {  	s28 =	simm.s32 $_size_execute0_lowered;
	s3 =	sadd.s32 s3, s5;
	[dreg:$0x0] =	wrdreg $0x0  }
0xa8: {  	s5 =	sshll.u32 s28, $0x1;
	[dreg:$0x2] =	wrdreg s3  }
0xa9: {  	[dreg:$0x3] =	wrdreg s5  }
0xaa: {  	[dreg:$0x4] =	wrdreg $0xC0  }
0xab: {  	_ =	task [dreg:s7], $0x5FFFF  }
0xac: {  	[dreg:$0x1] =	wrdreg $0xFFFFFFFF  }
0xad: {  	[dreg:$0x0] =	wrdreg $0x60  }
0xae: {  	[dreg:$0x2] =	wrdreg s24  }
0xaf: {  	[dreg:$0x3] =	wrdreg s2  }
0xb0: {  	[dreg:$0x4] =	wrdreg $0xA000  }
0xb1: {  	[dreg:$0x5] =	wrdreg $0x9  }
0xb2: {  	_ =	task.clear_ibuf [dreg:s7], $0x6FFFF;
	_ =	strace $0x90000046  }
0xb3: {  	s29 =	simm.s32 $0x9;
	_ =	strace $0x8000004B  }
0xb4: {  	_ =	swait.ge [sflag:s29], $0x1  }
0xb5: {  	[sflag:s29] =	ssyncadd.s32 $0xFFFFFFFF  }
0xb6: {  	_ =	strace $0x9000004B  }
0xb7: {  	_ =	sfence  }
0xb8: {  	s30 =	sld [smem:$0x0];
	_ =	sdelay $0x2  }
0xb9: {  	s31 =	sshll.u32 s1, $0xD;
	s1 =	sshrl.u32 s1, $0x2  }
0xba: {  	s3 =	sand.u32 $0x4000, s31;
	s1 =	sadd.s32 s1, s30  }
0xbb: {  	s0 =	sor.u32 s3, s0;
	s1 =	sshll.u32 s1, $0x11  }
0xbc: {  	s0 =	sor.u32 s1, s0  }
0xbd: {  	s0 =	sadd.s32 $0x8F2B, s0  }
0xbe: {  	[sflag:s0] =	ssyncadd.remote.s32 $0x1  }
0xbf: {  	_ =	sfence.sel $0xFFFF  }
0xc0: {  	[dreg:$0x0] =	wrdreg $0xFFFFFFFF;
	(pc) =	sbr.abs _section_cstart, $3  }
0xc1: {  	[dreg:$0x1] =	wrdreg $0xFFFFFFFF  }
0xc2: {  	_ =	task.clear_ibuf [dreg:s7], $0x2FFFF;
	_ =	strace $0x9FFFFFFF  }
0xc3: {  	(tm) =	ssettm $0x7FFFFFFF  }
tec
execute0_lowered:
.L_overlay_start_1:
0x0: {  	(tag) =	ssettag $0x1  }
0x1: {  	s16 =	rddreg [dreg:$0x0]  }
0x2: {  	s14 =	rddreg [dreg:$0x1]  }
0x3: {  	s2 =	rddreg [dreg:$0x2];
	s3 =	simm.s32 $0x0;
	s0 =	stileid.u32  }
0x4: {  	s6 =	srdreg.scid;
	s22 =	simm.s32 $0x1;
	s23 =	simm.s32 $0x200  }
0x5: {  	s24 =	simm.s32 $0x400;
	s25 =	simm.s32 $0x2;
	s28 =	simm.s32 $0x3  }
0x6: {  	s29 =	simm.s32 $0x0;
	[smem:$0x7FF] =	sst s3;
	s19 =	sadd.s32 $0x1E00, s16  }
0x7: {  	s9 =	smul.u32 $0x1F400, s0;
	s4 =	sadd.s32 $0x7000, s16;
	s5 =	sadd.s32 $0x6E00, s16  }
0x8: {  	s26 =	sand.u32 $0x1, s6;
	s8 =	smul.u32 $0x2800, s0;
	s6 =	sadd.s32 $0xB000, s16  }
0x9: {  	s7 =	sadd.s32 $0x21800, s16;
	s12 =	sadd.s32 $0x138800, s2;
	s13 =	sadd.s32 $0x140000, s2  }
0xa: {  	s21 =	smul.u32 $0x500, s0;
	_ =	strace $0x80000047;
	s10 =	ssub.s32 $0x2, s26  }
0xb: {  	p5 =	seq.s32 s26, $0x1;
	v0 =	vmov s26;
	s26 =	simm.s32 $0x600;
	s15 =	sshrl.u32 s9, $0x3  }
0xc: {  	s11 =	sshrl.u32 s10, $0x1;
	s8 =	sshrl.u32 s8, $0x3;
	s31 =	sadd.s32 $0xFFEC0000, s9  }
0xd: {  	s9 =	sadd.s32 s9, s2;
	p2 =	sgt.u32 @p5 s0, $0x9;
	p6 =	sgt.u32 @!p5 s0, $0x9  }
0xe: {  	s17 =	sadd.s32 s15, s16;
	s18 =	ssub.s32 s10, s11;
	p3 =	por !p6, p5  }
0xf: {  	s8 =	sadd.s32 s19, s8;
	s20 =	sshrl.u32 s31, $0x3;
	p3 =	sne.s32 @!p3 s0, $0xA  }
0x10: {  	p0 =	por !p2, !p5;
	p4 =	por @!p5 !p3, !p6;
	p3 =	por @!p5 p3, !p6  }
0x11: {  	s11 =	sadd.s32 $0x27100, s14;
	p1 =	sne.s32 @!p0 s0, $0xA;
	s0 =	simm.s32 @!p3 $0x0  }
0x12: {  	s14 =	sadd.s32 s14, s15;
	s16 =	sadd.s32 $0x5F100, s16;
	s0 =	simm.s32 @p3 $0x1  }
0x13: {  	s19 =	sadd.s32 s21, s19;
	s21 =	simm.s32 $0x4;
	[smem:$0x7FD] =	sst s0  }
0x14: {  	s10 =	sadd.s32 s6, s20;
	s15 =	sadd.s32 s7, s20;
	s0 =	sld [smem:$0x7FD]  }
0x15: {  	s17 =	sadd.s32 $0x38000, s17;
	s18 =	smax.u32 s18, $0x1;
	s20 =	simm.s32 $0x800  }
0x16: {  	p0 =	por @p5 !p1, !p2;
	p1 =	por @p5 p1, !p2;
	p2 =	por p2, !p5  }
0x17: {  	v0 =	vsub.s32 $0x2, v0;
	p0 =	por p0, !p5;
	p3 =	por p4, p5;
	p4 =	seq.s32 s0, $0x1  }
0x18: {  	v0 =	vbroadcast v0, $0x0;
	p1 =	por p1, !p5;
	p4 =	por p4, p5;
	p5 =	por p6, p5  }
.LBB2_1:
0x19: {  	_ =	strace $0x80000048  }
0x1a: {  	[tilespmem:s20], [sflag:$0x4] =	stream.linear.gather [hbm4b:s5+s3], $0x200, $0x200038;
	[tilespmem:$0x1FE48] =	vst v63  }
0x1b: {  	s0 =	stileid.u32;
	_ =	swait.ge [sflag:s21], $0x200  }
0x1c: {  	s30 =	sshll.u32 s0, $0x6;
	[sflag:s21] =	ssyncset.done $0x0  }
0x1d: {  	s31 =	sshrl.u32 s9, $0x3;
	s30 =	sor.u32 $0x1C04, s30;
	[sflag:s21] =	ssyncadd.s32 $0xFFFFFE00  }
0x1e: {  	[tilespmem:s3], [sflag:$0x1] =	stream.linear.gather [hbm4b:s8+s3], $0x200, $0x200038;
	[tilespmem:$0x1FE48] =	vst v63  }
0x1f: {  	[spmem:s31], [sflag:s30] =	dma.local [hbm:s4], $0x3E80  }
0x20: {  	_ =	swait.ge [sflag:s21], $0x3E80  }
0x21: {  	[sflag:s21] =	ssyncset.done $0x0  }
0x22: {  	[sflag:s21] =	ssyncadd.s32 $0xFFFFC180  }
0x23: {  	[bflag:$0x0] =	sbarrier.arrive $0xFFFF  }
0x24: {  	_ =	strace $0x90000048  }
0x25: {  	s31 =	simm.s32 $0xFFFFFB00;
	_ =	strace $0x80000049  }
.LBB2_2:
0x26: {  	_ =	swait.ge [sflag:s22], $0x200  }
0x27: {  	s0 =	sadd.s32 s31, s19;
	[sflag:s22] =	ssyncset.done $0x0  }
0x28: {  	s0 =	sadd.s32 $0x540, s0;
	[sflag:s22] =	ssyncadd.s32 $0xFFFFFE00  }
0x29: {  	[tilespmem:s23], [sflag:$0x2] =	stream.linear.gather [hbm4b:s0+s3], $0x200, $0x200038;
	[tilespmem:$0x1FE48] =	vst v63  }
0x2a: {  	v1 =	vld [tilespmem:$0x0]  }
0x2b: {  	v2 =	vld [tilespmem:$0x10]  }
0x2c: {  	v6 =	vld [tilespmem:$0x30]  }
0x2d: {  	v51 =	vld [tilespmem:$0x50]  }
0x2e: {  	v10 =	vld [tilespmem:$0x60]  }
0x2f: {  	v55 =	vld [tilespmem:$0x70]  }
0x30: {  	v12 =	vld [tilespmem:$0x80]  }
0x31: {  	v60 =	vld [tilespmem:$0x90]  }
0x32: {  	v14 =	vld [tilespmem:$0xA0]  }
0x33: {  	v24 =	vld [tilespmem:$0xB0]  }
0x34: {  	v16 =	vld [tilespmem:$0xC0]  }
0x35: {  	v29 =	vld [tilespmem:$0xD0]  }
0x36: {  	v18 =	vld [tilespmem:$0xE0]  }
0x37: {  	v34 =	vld [tilespmem:$0xF0];
	v4 =	vshrl.u32 v1, $0x2;
	v1 =	vand.u32 $0x3, v1  }
0x38: {  	v20 =	vld [tilespmem:$0x100];
	v7 =	vshrl.u32 v2, $0x2;
	v9 =	vshrl.u32 v6, $0x2;
	v11 =	vshrl.u32 v51, $0x2  }
0x39: {  	v39 =	vld [tilespmem:$0x110];
	v57 =	vshrl.u32 v10, $0x2;
	v10 =	vand.u32 $0x3, v10;
	v13 =	vshrl.u32 v55, $0x2  }
0x3a: {  	v22 =	vld [tilespmem:$0x120];
	v62 =	vshrl.u32 v12, $0x2;
	v12 =	vand.u32 $0x3, v12;
	v15 =	vshrl.u32 v60, $0x2  }
0x3b: {  	v26 =	vshrl.u32 v14, $0x2;
	v14 =	vand.u32 $0x3, v14;
	v17 =	vshrl.u32 v24, $0x2  }
0x3c: {  	v31 =	vshrl.u32 v16, $0x2;
	v16 =	vand.u32 $0x3, v16;
	v19 =	vshrl.u32 v29, $0x2  }
0x3d: {  	v36 =	vshrl.u32 v18, $0x2;
	v18 =	vand.u32 $0x3, v18;
	v21 =	vshrl.u32 v34, $0x2  }
0x3e: {  	v41 =	vshrl.u32 v20, $0x2;
	v20 =	vand.u32 $0x3, v20;
	v45 =	vand.u32 $0x3, v39  }
0x3f: {  	v48 =	vshrl.u32 v22, $0x2;
	v5 =	vand.u32 $0x3FF, v4;
	vm0 =	veq.s32 v1, v0  }
0x40: {  	v1 =	vand.u32 $0x3, v2;
	v2 =	vand.u32 $0x3FF, v7;
	v52 =	vand.u32 $0x3FF, v9  }
0x41: {  	v56 =	vand.u32 $0x3FF, v11;
	v59 =	vand.u32 $0x3FF, v57;
	vm6 =	veq.s32 v10, v0  }
0x42: {  	v3 =	vld [tilespmem:$0x20];
	v61 =	vand.u32 $0x3FF, v13;
	v23 =	vand.u32 $0x3FF, v62;
	vm8 =	veq.s32 v12, v0  }
0x43: {  	v25 =	vand.u32 $0x3FF, v15;
	v28 =	vand.u32 $0x3FF, v26;
	vm10 =	veq.s32 v14, v0  }
0x44: {  	v30 =	vand.u32 $0x3FF, v17;
	v33 =	vand.u32 $0x3FF, v31;
	vm12 =	veq.s32 v16, v0  }
0x45: {  	v35 =	vand.u32 $0x3FF, v19;
	v38 =	vand.u32 $0x3FF, v36;
	v40 =	vand.u32 $0x3FF, v21  }
0x46: {  	v43 =	vand.u32 $0x3FF, v41;
	v49 =	vand.u32 $0x3FF, v48;
	v5 =	vor.u32 $0x1F4000, v5  }
0x47: {  	v44 =	vld [tilespmem:$0x130];
	v2 =	vor.u32 $0x1F4000, v2;
	vm1 =	veq.s32 v1, v0;
	v1 =	vshrl.u32 v3, $0x2  }
0x48: {  	v8 =	vld [tilespmem:$0x40];
	v3 =	vand.u32 $0x3, v3;
	v10 =	vor.u32 $0x1F4000, v61;
	v12 =	vor.u32 $0x1F4000, v25  }
0x49: {  	v14 =	vor.u32 $0x1F4000, v30;
	v16 =	vor.u32 $0x1F4000, v35;
	v4 =	vsel vm0, v4, v5  }
0x4a: {  	v2 =	vsel vm1, v7, v2;
	v50 =	vand.u32 $0x3FF, v1;
	vm14 =	veq.s32 v3, v0  }
0x4b: {  	v3 =	vand.u32 $0x3, v6;
	v6 =	vor.u32 $0x1F4000, v52;
	v7 =	vand.u32 $0x3, v51  }
0x4c: {  	v51 =	vand.u32 $0x3, v22;
	v52 =	vshrl.u32 v44, $0x2;
	v5 =	vor.u32 $0x1F4000, v50  }
0x4d: {  	vm15 =	veq.s32 v3, v0;
	v3 =	vshrl.u32 v8, $0x2;
	v8 =	vand.u32 $0x3, v8  }
0x4e: {  	vm5 =	veq.s32 v7, v0;
	v1 =	vsel vm14, v1, v5;
	v53 =	vsel vm15, v9, v6  }
0x4f: {  	v54 =	vand.u32 $0x3FF, v3;
	vm4 =	veq.s32 v8, v0;
	v8 =	vor.u32 $0x1F4000, v56  }
0x50: {  	v9 =	vand.u32 $0x3, v55;
	vm14 =	veq.s32 v18, v0;
	v18 =	vor.u32 $0x1F4000, v40  }
0x51: {  	v47 =	vld [tilespmem:$0x140];
	v6 =	vor.u32 $0x1F4000, v54;
	v58 =	vsel vm5, v11, v8;
	v8 =	vor.u32 $0x1F4000, v59  }
0x52: {  	v61 =	vld [tilespmem:$0x180];
	vm7 =	veq.s32 v9, v0;
	v11 =	vand.u32 $0x3, v60;
	vm5 =	veq.s32 v45, v0  }
0x53: {  	[tilespmem:$0x430] =	vst v53;
	v53 =	vand.u32 $0x3FF, v52;
	v3 =	vsel vm4, v3, v6;
	v7 =	vsel vm6, v57, v8  }
0x54: {  	v63 =	vsel vm7, v13, v10;
	v10 =	vor.u32 $0x1F4000, v23;
	vm9 =	veq.s32 v11, v0  }
0x55: {  	v35 =	vld [tilespmem:$0x1D0];
	v13 =	vand.u32 $0x3, v24;
	v23 =	vshrl.u32 v39, $0x2;
	vm4 =	veq.s32 v20, v0  }
0x56: {  	vm6 =	veq.s32 v51, v0;
	v5 =	vor.u32 $0x1F4000, v53;
	v57 =	vand.u32 $0x3, v47  }
0x57: {  	v25 =	vshrl.u32 v61, $0x2;
	v9 =	vsel vm8, v62, v10;
	v27 =	vsel vm9, v15, v12  }
0x58: {  	v50 =	vld [tilespmem:$0x150];
	v12 =	vor.u32 $0x1F4000, v28;
	vm11 =	veq.s32 v13, v0;
	v15 =	vand.u32 $0x3, v29  }
0x59: {  	v46 =	vand.u32 $0x3FF, v23;
	[tilespmem:$0x440] =	vst v3;
	v3 =	vand.u32 $0x3, v44;
	vm8 =	veq.s32 v57, v0  }
0x5a: {  	v29 =	vand.u32 $0x3, v61;
	v44 =	vand.u32 $0x3, v35;
	v11 =	vsel vm10, v26, v12  }
0x5b: {  	[tilespmem:$0x400] =	vst v4;
	v32 =	vsel vm11, v17, v14;
	v14 =	vor.u32 $0x1F4000, v33;
	vm13 =	veq.s32 v15, v0  }
0x5c: {  	[tilespmem:$0x410] =	vst v2;
	v56 =	vld [tilespmem:$0x170];
	v17 =	vand.u32 $0x3, v34;
	v2 =	vor.u32 $0x1F4000, v46;
	vm7 =	veq.s32 v3, v0  }
0x5d: {  	[tilespmem:$0x450] =	vst v58;
	v3 =	vshrl.u32 v47, $0x2;
	v58 =	vshrl.u32 v50, $0x2;
	v59 =	vand.u32 $0x3, v50  }
0x5e: {  	[tilespmem:$0x490] =	vst v27;
	v27 =	vand.u32 $0x3FF, v25;
	v13 =	vsel vm12, v31, v14;
	v37 =	vsel vm13, v19, v16  }
0x5f: {  	[tilespmem:$0x420] =	vst v1;
	v16 =	vor.u32 $0x1F4000, v38;
	vm15 =	veq.s32 v17, v0;
	v2 =	vsel vm5, v23, v2  }
0x60: {  	v54 =	vld [tilespmem:$0x160];
	[tilespmem:$0x460] =	vst v7;
	v17 =	vor.u32 $0x1F4000, v49;
	v5 =	vsel vm7, v52, v5;
	v55 =	vand.u32 $0x3FF, v3  }
0x61: {  	[tilespmem:$0x470] =	vst v63;
	v60 =	vand.u32 $0x3FF, v58;
	vm9 =	veq.s32 v59, v0;
	v22 =	vshrl.u32 v56, $0x2  }
0x62: {  	v20 =	vld [tilespmem:$0x190];
	[tilespmem:$0x480] =	vst v9;
	v7 =	vand.u32 $0x3, v56;
	vm12 =	veq.s32 v29, v0;
	vm5 =	veq.s32 v44, v0  }
0x63: {  	v24 =	vld [tilespmem:$0x1A0];
	[tilespmem:$0x4A0] =	vst v11;
	v15 =	vsel vm14, v36, v16;
	v42 =	vsel vm15, v21, v18;
	v18 =	vor.u32 $0x1F4000, v43  }
0x64: {  	v39 =	vld [tilespmem:$0x1E0];
	[tilespmem:$0x4B0] =	vst v32;
	v4 =	vsel vm6, v48, v17;
	v6 =	vor.u32 $0x1F4000, v55;
	v9 =	vor.u32 $0x1F4000, v60  }
0x65: {  	v62 =	vshrl.u32 v54, $0x2;
	v21 =	vand.u32 $0x3, v54;
	[tilespmem:$0x4C0] =	vst v13;
	v23 =	vand.u32 $0x3FF, v22  }
0x66: {  	[tilespmem:$0x4D0] =	vst v37;
	vm11 =	veq.s32 v7, v0;
	v43 =	vshrl.u32 v35, $0x2;
	v1 =	vsel vm4, v41, v18  }
0x67: {  	v28 =	vld [tilespmem:$0x1B0];
	[tilespmem:$0x510] =	vst v2;
	v3 =	vsel vm8, v3, v6;
	v63 =	vsel vm9, v58, v9;
	v19 =	vand.u32 $0x3FF, v62  }
0x68: {  	[tilespmem:$0x530] =	vst v5;
	vm10 =	veq.s32 v21, v0;
	v11 =	vor.u32 $0x1F4000, v23;
	v30 =	vshrl.u32 v20, $0x2  }
0x69: {  	[tilespmem:$0x4E0] =	vst v15;
	v36 =	vand.u32 $0x3, v24;
	v45 =	vand.u32 $0x3FF, v43;
	v46 =	vshrl.u32 v39, $0x2  }
0x6a: {  	[tilespmem:$0x4F0] =	vst v42;
	v47 =	vand.u32 $0x3, v39;
	v9 =	vor.u32 $0x1F4000, v19;
	v26 =	vsel vm11, v22, v11  }
0x6b: {  	v32 =	vld [tilespmem:$0x1C0];
	v11 =	vor.u32 $0x1F4000, v27;
	[tilespmem:$0x500] =	vst v1;
	v1 =	vand.u32 $0x3, v20;
	v31 =	vand.u32 $0x3FF, v30  }
0x6c: {  	v37 =	vshrl.u32 v28, $0x2;
	[tilespmem:$0x540] =	vst v3;
	vm14 =	veq.s32 v36, v0;
	v3 =	vand.u32 $0x3, v28  }
0x6d: {  	[tilespmem:$0x520] =	vst v4;
	vm6 =	veq.s32 v47, v0;
	v8 =	vsel vm10, v62, v9;
	v2 =	vor.u32 $0x1F4000, v31  }
0x6e: {  	[tilespmem:$0x550] =	vst v63;
	vm13 =	veq.s32 v1, v0;
	v1 =	vshrl.u32 v24, $0x2;
	v33 =	vsel vm12, v25, v11  }
0x6f: {  	v41 =	vld [tilespmem:$0x1F0];
	v38 =	vand.u32 $0x3FF, v37;
	vm15 =	veq.s32 v3, v0;
	[tilespmem:$0x570] =	vst v26;
	v2 =	vsel vm13, v30, v2  }
0x70: {  	v34 =	vand.u32 $0x3FF, v1;
	v5 =	vor.u32 $0x1F4000, v38;
	v3 =	vshrl.u32 v32, $0x2;
	[tilespmem:$0x560] =	vst v8  }
0x71: {  	v42 =	vand.u32 $0x3, v32;
	[tilespmem:$0x580] =	vst v33;
	v7 =	vor.u32 $0x1F4000, v34;
	v5 =	vsel vm15, v37, v5  }
0x72: {  	v40 =	vand.u32 $0x3FF, v3;
	vm4 =	veq.s32 v42, v0;
	[tilespmem:$0x590] =	vst v2;
	v2 =	vor.u32 $0x1F4000, v45  }
0x73: {  	v1 =	vsel vm14, v1, v7;
	v6 =	vor.u32 $0x1F4000, v40;
	v2 =	vsel vm5, v43, v2;
	[tilespmem:$0x5B0] =	vst v5  }
0x74: {  	v48 =	vshrl.u32 v41, $0x2;
	[tilespmem:$0x5A0] =	vst v1;
	v1 =	vsel vm4, v3, v6;
	v3 =	vand.u32 $0x3FF, v46  }
0x75: {  	v49 =	vand.u32 $0x3FF, v48;
	v3 =	vor.u32 $0x1F4000, v3;
	[tilespmem:$0x5C0] =	vst v1;
	v1 =	vand.u32 $0x3, v41  }
0x76: {  	[tilespmem:$0x5D0] =	vst v2;
	v2 =	vsel vm6, v46, v3;
	v3 =	vor.u32 $0x1F4000, v49;
	vm7 =	veq.s32 v1, v0  }
0x77: {  	[tilespmem:$0x5E0] =	vst v2;
	v1 =	vsel vm7, v48, v3  }
0x78: {  	[tilespmem:$0x5F0] =	vst v1  }
0x79: {  	[spmem:s2] =	stream.indirect.scatter.add.f32 [tilespmem:s20], [sflag:$0x3], $0x1, s24, s23, $0x2000b8;
	[tilespmem:$0x1FE48] =	vst v63  }
0x7a: {  	p6 =	seq.s32 s31, $0xFFFFFF80;
	_ =	swait.ge [sflag:s25], $0x200  }
0x7b: {  	s0 =	sadd.s32 @!p6 s31, s19;
	[sflag:s25] =	ssyncset.done $0x0  }
0x7c: {  	s1 =	simm.s32 @!p6 $0x0;
	s0 =	sadd.s32 @!p6 $0x580, s0;
	[sflag:s25] =	ssyncadd.s32 $0xFFFFFE00  }
0x7d: {  	[tilespmem:s1], [sflag:$0x1] =	stream.linear.gather @!p6 [hbm4b:s0+s1], $0x200, $0x200038;
	[tilespmem:$0x1FE48] =	vst v63  }
0x7e: {  	v1 =	vld [tilespmem:$0x200]  }
0x7f: {  	v2 =	vld [tilespmem:$0x210]  }
0x80: {  	v52 =	vld [tilespmem:$0x230]  }
0x81: {  	v54 =	vld [tilespmem:$0x240]  }
0x82: {  	v56 =	vld [tilespmem:$0x250]  }
0x83: {  	v59 =	vld [tilespmem:$0x260]  }
0x84: {  	v62 =	vld [tilespmem:$0x270]  }
0x85: {  	v17 =	vld [tilespmem:$0x280]  }
0x86: {  	v20 =	vld [tilespmem:$0x290]  }
0x87: {  	v23 =	vld [tilespmem:$0x2A0]  }
0x88: {  	v26 =	vld [tilespmem:$0x2B0]  }
0x89: {  	v29 =	vld [tilespmem:$0x2C0]  }
0x8a: {  	v32 =	vld [tilespmem:$0x2D0];
	v50 =	vshrl.u32 v1, $0x2;
	v1 =	vand.u32 $0x3, v1  }
0x8b: {  	v35 =	vld [tilespmem:$0x2E0];
	v53 =	vshrl.u32 v2, $0x2;
	v57 =	vshrl.u32 v52, $0x2;
	v8 =	vand.u32 $0x3, v54  }
0x8c: {  	v39 =	vld [tilespmem:$0x2F0];
	v63 =	vshrl.u32 v56, $0x2;
	v7 =	vand.u32 $0x3, v56;
	v18 =	vshrl.u32 v59, $0x2  }
0x8d: {  	v42 =	vld [tilespmem:$0x300];
	v10 =	vand.u32 $0x3, v59;
	v21 =	vshrl.u32 v62, $0x2;
	v9 =	vand.u32 $0x3, v62  }
0x8e: {  	v24 =	vshrl.u32 v17, $0x2;
	v12 =	vand.u32 $0x3, v17;
	v27 =	vshrl.u32 v20, $0x2  }
0x8f: {  	v11 =	vand.u32 $0x3, v20;
	v30 =	vshrl.u32 v23, $0x2;
	v14 =	vand.u32 $0x3, v23  }
0x90: {  	v33 =	vshrl.u32 v26, $0x2;
	v13 =	vand.u32 $0x3, v26;
	v36 =	vshrl.u32 v29, $0x2  }
0x91: {  	v40 =	vshrl.u32 v32, $0x2;
	v15 =	vand.u32 $0x3, v32;
	v43 =	vshrl.u32 v35, $0x2  }
0x92: {  	v47 =	vshrl.u32 v39, $0x2;
	v17 =	vand.u32 $0x3, v39;
	v20 =	vand.u32 $0x3, v42  }
0x93: {  	v51 =	vand.u32 $0x3FF, v50;
	vm8 =	veq.s32 v1, v0;
	v1 =	vand.u32 $0x3, v2  }
0x94: {  	v2 =	vand.u32 $0x3FF, v53;
	v58 =	vand.u32 $0x3FF, v57;
	vm12 =	veq.s32 v8, v0  }
0x95: {  	v16 =	vand.u32 $0x3FF, v63;
	vm13 =	veq.s32 v7, v0;
	v19 =	vand.u32 $0x3FF, v18  }
0x96: {  	vm14 =	veq.s32 v10, v0;
	v22 =	vand.u32 $0x3FF, v21;
	vm15 =	veq.s32 v9, v0  }
0x97: {  	v3 =	vld [tilespmem:$0x220];
	v25 =	vand.u32 $0x3FF, v24;
	vm4 =	veq.s32 v12, v0;
	v28 =	vand.u32 $0x3FF, v27  }
0x98: {  	vm5 =	veq.s32 v11, v0;
	v31 =	vand.u32 $0x3FF, v30;
	vm6 =	veq.s32 v14, v0  }
0x99: {  	v49 =	vld [tilespmem:$0x320];
	v34 =	vand.u32 $0x3FF, v33;
	vm7 =	veq.s32 v13, v0;
	v38 =	vand.u32 $0x3FF, v36  }
0x9a: {  	v41 =	vand.u32 $0x3FF, v40;
	v45 =	vand.u32 $0x3FF, v43;
	v48 =	vand.u32 $0x3FF, v47  }
0x9b: {  	v5 =	vor.u32 $0x1F4000, v51;
	v2 =	vor.u32 $0x1F4000, v2;
	vm9 =	veq.s32 v1, v0  }
0x9c: {  	v1 =	vshrl.u32 v3, $0x2;
	v3 =	vand.u32 $0x3, v3;
	v6 =	vor.u32 $0x1F4000, v58  }
0x9d: {  	v8 =	vor.u32 $0x1F4000, v16;
	v10 =	vor.u32 $0x1F4000, v22;
	v12 =	vor.u32 $0x1F4000, v28  }
0x9e: {  	v14 =	vor.u32 $0x1F4000, v34;
	v16 =	vand.u32 $0x3, v29;
	v58 =	vshrl.u32 v49, $0x2  }
0x9f: {  	v4 =	vsel vm8, v50, v5;
	v2 =	vsel vm9, v53, v2;
	v55 =	vand.u32 $0x3FF, v1  }
0xa0: {  	v46 =	vld [tilespmem:$0x310];
	vm10 =	veq.s32 v3, v0;
	v3 =	vand.u32 $0x3, v52;
	v37 =	vsel vm7, v33, v14  }
0xa1: {  	v14 =	vor.u32 $0x1F4000, v38;
	vm8 =	veq.s32 v16, v0;
	v16 =	vor.u32 $0x1F4000, v41  }
0xa2: {  	v59 =	vld [tilespmem:$0x350];
	vm9 =	veq.s32 v15, v0;
	v50 =	vshrl.u32 v42, $0x2;
	v5 =	vor.u32 $0x1F4000, v55  }
0xa3: {  	v26 =	vld [tilespmem:$0x370];
	vm11 =	veq.s32 v3, v0;
	v3 =	vshrl.u32 v54, $0x2;
	v13 =	vsel vm8, v36, v14  }
0xa4: {  	v44 =	vsel vm9, v40, v16;
	v16 =	vor.u32 $0x1F4000, v45;
	v52 =	vand.u32 $0x3FF, v50  }
0xa5: {  	v54 =	vshrl.u32 v46, $0x2;
	v55 =	vand.u32 $0x3, v46;
	v1 =	vsel vm10, v1, v5  }
0xa6: {  	v60 =	vsel vm11, v57, v6;
	v61 =	vand.u32 $0x3FF, v3;
	vm11 =	veq.s32 v17, v0  }
0xa7: {  	[tilespmem:$0x610] =	vst v2;
	v56 =	vand.u32 $0x3FF, v54;
	v28 =	vshrl.u32 v59, $0x2;
	v29 =	vand.u32 $0x3, v59  }
0xa8: {  	v53 =	vld [tilespmem:$0x330];
	[tilespmem:$0x6B0] =	vst v37;
	v37 =	vshrl.u32 v26, $0x2;
	v6 =	vor.u32 $0x1F4000, v61;
	v2 =	vor.u32 $0x1F4000, v56  }
0xa9: {  	[tilespmem:$0x630] =	vst v60;
	v60 =	vand.u32 $0x3, v49;
	v38 =	vand.u32 $0x3FF, v37;
	v3 =	vsel vm12, v3, v6  }
0xaa: {  	v6 =	vsel vm13, v63, v8;
	v8 =	vor.u32 $0x1F4000, v19;
	vm12 =	veq.s32 v20, v0  }
0xab: {  	vm13 =	veq.s32 v55, v0;
	v7 =	vsel vm14, v18, v8;
	v8 =	vsel vm15, v21, v10  }
0xac: {  	[tilespmem:$0x620] =	vst v1;
	v10 =	vor.u32 $0x1F4000, v25;
	v18 =	vand.u32 $0x3, v35;
	v1 =	vsel vm13, v54, v2  }
0xad: {  	v39 =	vld [tilespmem:$0x3A0];
	v2 =	vand.u32 $0x3FF, v58;
	v61 =	vshrl.u32 v53, $0x2;
	[tilespmem:$0x640] =	vst v3;
	vm14 =	veq.s32 v60, v0  }
0xae: {  	v3 =	vand.u32 $0x3, v53;
	[tilespmem:$0x650] =	vst v6;
	v6 =	vand.u32 $0x3, v26;
	v9 =	vsel vm4, v24, v10  }
0xaf: {  	v57 =	vld [tilespmem:$0x340];
	v10 =	vsel vm5, v27, v12;
	v12 =	vor.u32 $0x1F4000, v31;
	vm10 =	veq.s32 v18, v0  }
0xb0: {  	v18 =	vor.u32 $0x1F4000, v48;
	v2 =	vor.u32 $0x1F4000, v2;
	v62 =	vand.u32 $0x3FF, v61  }
0xb1: {  	vm15 =	veq.s32 v3, v0;
	vm5 =	veq.s32 v29, v0;
	vm7 =	veq.s32 v6, v0  }
0xb2: {  	[tilespmem:$0x600] =	vst v4;
	v48 =	vshrl.u32 v39, $0x2;
	v11 =	vsel vm6, v30, v12;
	v15 =	vsel vm10, v43, v16  }
0xb3: {  	[tilespmem:$0x6C0] =	vst v13;
	v49 =	vld [tilespmem:$0x3D0];
	v51 =	vsel vm11, v47, v18;
	v18 =	vor.u32 $0x1F4000, v52;
	v5 =	vor.u32 $0x1F4000, v62  }
0xb4: {  	[tilespmem:$0x6D0] =	vst v44;
	v63 =	vld [tilespmem:$0x360];
	v3 =	vshrl.u32 v57, $0x2;
	v2 =	vsel vm14, v58, v2;
	v27 =	vand.u32 $0x3, v57  }
0xb5: {  	v30 =	vand.u32 $0x3FF, v28;
	[tilespmem:$0x690] =	vst v10;
	v10 =	vor.u32 $0x1F4000, v38;
	v17 =	vsel vm12, v50, v18  }
0xb6: {  	v55 =	vld [tilespmem:$0x3F0];
	[tilespmem:$0x680] =	vst v9;
	v24 =	vsel vm15, v61, v5;
	v25 =	vand.u32 $0x3FF, v3;
	vm4 =	veq.s32 v27, v0  }
0xb7: {  	v9 =	vor.u32 $0x1F4000, v30;
	v41 =	vsel vm7, v37, v10;
	[tilespmem:$0x720] =	vst v2;
	v2 =	vand.u32 $0x3FF, v48  }
0xb8: {  	v35 =	vld [tilespmem:$0x390];
	[tilespmem:$0x660] =	vst v7;
	v50 =	vand.u32 $0x3, v39;
	v57 =	vshrl.u32 v49, $0x2;
	v58 =	vand.u32 $0x3, v49  }
0xb9: {  	v53 =	vld [tilespmem:$0x3E0];
	[tilespmem:$0x670] =	vst v8;
	v5 =	vor.u32 $0x1F4000, v25;
	v32 =	vshrl.u32 v63, $0x2;
	v33 =	vsel vm5, v28, v9  }
0xba: {  	v31 =	vld [tilespmem:$0x380];
	[tilespmem:$0x710] =	vst v1;
	v36 =	vand.u32 $0x3, v63;
	v2 =	vor.u32 $0x1F4000, v2;
	vm10 =	veq.s32 v50, v0  }
0xbb: {  	[tilespmem:$0x6A0] =	vst v11;
	v59 =	vand.u32 $0x3FF, v57;
	vm13 =	veq.s32 v58, v0;
	v62 =	vshrl.u32 v55, $0x2  }
0xbc: {  	[tilespmem:$0x6E0] =	vst v15;
	v3 =	vsel vm4, v3, v5;
	v34 =	vand.u32 $0x3FF, v32;
	vm6 =	veq.s32 v36, v0  }
0xbd: {  	v43 =	vld [tilespmem:$0x3B0];
	[tilespmem:$0x6F0] =	vst v51;
	v45 =	vshrl.u32 v35, $0x2;
	v9 =	vand.u32 $0x3, v35;
	v2 =	vsel vm10, v48, v2  }
0xbe: {  	v47 =	vld [tilespmem:$0x3C0];
	[tilespmem:$0x700] =	vst v17;
	v60 =	vshrl.u32 v53, $0x2;
	v61 =	vand.u32 $0x3, v53;
	v63 =	vand.u32 $0x3FF, v62  }
0xbf: {  	[tilespmem:$0x730] =	vst v24;
	v8 =	vor.u32 $0x1F4000, v34;
	v40 =	vshrl.u32 v31, $0x2;
	v44 =	vand.u32 $0x3, v31  }
0xc0: {  	v46 =	vand.u32 $0x3FF, v45;
	vm9 =	veq.s32 v9, v0;
	[tilespmem:$0x7A0] =	vst v2;
	v2 =	vand.u32 $0x3FF, v60  }
0xc1: {  	[tilespmem:$0x770] =	vst v41;
	v7 =	vsel vm6, v32, v8;
	v42 =	vand.u32 $0x3FF, v40;
	vm8 =	veq.s32 v44, v0  }
0xc2: {  	[tilespmem:$0x740] =	vst v3;
	v1 =	vor.u32 $0x1F4000, v46;
	v51 =	vshrl.u32 v43, $0x2;
	v3 =	vand.u32 $0x3, v43  }
0xc3: {  	[tilespmem:$0x750] =	vst v33;
	v56 =	vand.u32 $0x3, v47;
	v10 =	vor.u32 $0x1F4000, v42;
	v1 =	vsel vm9, v45, v1  }
0xc4: {  	v52 =	vand.u32 $0x3FF, v51;
	vm11 =	veq.s32 v3, v0;
	v3 =	vshrl.u32 v47, $0x2;
	[tilespmem:$0x760] =	vst v7  }
0xc5: {  	v6 =	vsel vm8, v40, v10;
	v4 =	vor.u32 $0x1F4000, v52;
	v54 =	vand.u32 $0x3FF, v3;
	[tilespmem:$0x790] =	vst v1  }
0xc6: {  	vm12 =	veq.s32 v56, v0;
	v4 =	vsel vm11, v51, v4;
	v5 =	vor.u32 $0x1F4000, v54;
	[tilespmem:$0x780] =	vst v6  }
0xc7: {  	vm14 =	veq.s32 v61, v0;
	v1 =	vor.u32 $0x1F4000, v59;
	v3 =	vsel vm12, v3, v5;
	[tilespmem:$0x7B0] =	vst v4  }
0xc8: {  	v2 =	vor.u32 $0x1F4000, v2;
	v1 =	vsel vm13, v57, v1;
	[tilespmem:$0x7C0] =	vst v3;
	v3 =	vand.u32 $0x3, v55  }
0xc9: {  	[tilespmem:$0x7D0] =	vst v1;
	v1 =	vsel vm14, v60, v2;
	v2 =	vor.u32 $0x1F4000, v63;
	vm15 =	veq.s32 v3, v0  }
0xca: {  	[tilespmem:$0x7E0] =	vst v1;
	v1 =	vsel vm15, v62, v2  }
0xcb: {  	s31 =	sadd.s32 $0x80, s31;
	[tilespmem:$0x7F0] =	vst v1  }
0xcc: {  	[spmem:s2] =	stream.indirect.scatter.add.f32 [tilespmem:s20], [sflag:$0x3], $0x1, s26, s23, $0x2000b8;
	[tilespmem:$0x1FE48] =	vst v63  }
0xcd: {  	p6 =	sne.s32 s31, $0x0;
	_ =	swait.ge [sflag:s28], $0x200  }
.Ltmp0:
0xce: {  	[sflag:s28] =	ssyncset.done $0x0;
	(pc) =	sbr.rel @p6 .LBB2_2-.Ltmp0, $4  }
0xcf: {  	[sflag:s28] =	ssyncadd.s32 $0xFFFFFE00  }
0xd0: {  	_ =	swait.ge [sflag:s28], $0x200  }
0xd1: {  	[sflag:s28] =	ssyncset.done $0x0  }
0xd2: {  	[sflag:s28] =	ssyncadd.s32 $0xFFFFFE00  }
0xd3: {  	[bflag:$0x0] =	sbarrier.arrive $0xFFFF  }
0xd4: {  	_ =	strace $0x90000049  }
0xd5: {  	s0 =	sshrl.u32 @!p0 s9, $0x3;
	_ =	strace $0x8000004A  }
0xd6: {  	[hbm:s15], [sflag:s30] =	dma.local @!p0 [spmem:s0], $0x3E80  }
0xd7: {  	s0 =	simm.s32 @!p0 $0x4  }
0xd8: {  	_ =	swait.ge @!p0 [sflag:s0], $0x3E80  }
0xd9: {  	[sflag:s0] =	ssyncset.done @!p0 $0x0  }
0xda: {  	[sflag:s0] =	ssyncadd.s32 @!p0 $0xFFFFC180;
	s0 =	sshrl.u32 @!p1 s12, $0x3  }
0xdb: {  	[hbm:s16], [sflag:s30] =	dma.local @!p1 [spmem:s0], $0xF00  }
0xdc: {  	s0 =	simm.s32 @!p1 $0x4  }
0xdd: {  	_ =	swait.ge @!p1 [sflag:s0], $0xF00  }
0xde: {  	[sflag:s0] =	ssyncset.done @!p1 $0x0  }
0xdf: {  	s1 =	sshrl.u32 @!p1 s13, $0x3;
	[sflag:s0] =	ssyncadd.s32 @!p1 $0xFFFFF100  }
0xe0: {  	[hbm:s7], [sflag:s30] =	dma.local @!p1 [spmem:s1], $0x2F80  }
0xe1: {  	_ =	swait.ge @!p1 [sflag:s0], $0x2F80  }
0xe2: {  	[sflag:s0] =	ssyncset.done @!p1 $0x0  }
0xe3: {  	[sflag:s0] =	ssyncadd.s32 @!p1 $0xFFFFD080;
	s0 =	sshrl.u32 @!p2 s9, $0x3  }
0xe4: {  	[hbm:s17], [sflag:s30] =	dma.local @!p2 [spmem:s0], $0x3E80  }
0xe5: {  	s0 =	simm.s32 @!p2 $0x4  }
0xe6: {  	_ =	swait.ge @!p2 [sflag:s0], $0x3E80  }
0xe7: {  	[sflag:s0] =	ssyncset.done @!p2 $0x0  }
0xe8: {  	[sflag:s0] =	ssyncadd.s32 @!p2 $0xFFFFC180;
	s0 =	sshrl.u32 @!p3 s9, $0x3  }
0xe9: {  	[hbm:s10], [sflag:s30] =	dma.local @!p3 [spmem:s0], $0x3E80  }
0xea: {  	s0 =	simm.s32 @!p3 $0x4  }
0xeb: {  	_ =	swait.ge @!p3 [sflag:s0], $0x3E80  }
0xec: {  	[sflag:s0] =	ssyncset.done @!p3 $0x0  }
0xed: {  	[sflag:s0] =	ssyncadd.s32 @!p3 $0xFFFFC180;
	s0 =	sshrl.u32 @!p4 s12, $0x3  }
0xee: {  	[hbm:s11], [sflag:s30] =	dma.local @!p4 [spmem:s0], $0xF00  }
0xef: {  	s0 =	simm.s32 @!p4 $0x4  }
0xf0: {  	_ =	swait.ge @!p4 [sflag:s0], $0xF00  }
0xf1: {  	[sflag:s0] =	ssyncset.done @!p4 $0x0  }
0xf2: {  	s1 =	sshrl.u32 @!p4 s13, $0x3;
	[sflag:s0] =	ssyncadd.s32 @!p4 $0xFFFFF100  }
0xf3: {  	[hbm:s6], [sflag:s30] =	dma.local @!p4 [spmem:s1], $0x2F80  }
0xf4: {  	_ =	swait.ge @!p4 [sflag:s0], $0x2F80  }
0xf5: {  	s29 =	sadd.s32 $0x1, s29;
	[sflag:s0] =	ssyncset.done @!p4 $0x0  }
0xf6: {  	p6 =	sne.s32 s29, s18;
	[sflag:s0] =	ssyncadd.s32 @!p4 $0xFFFFD080;
	s0 =	sshrl.u32 @!p5 s9, $0x3  }
0xf7: {  	[hbm:s14], [sflag:s30] =	dma.local @!p5 [spmem:s0], $0x3E80  }
.Ltmp1:
0xf8: {  	s0 =	simm.s32 @!p5 $0x4;
	(pc) =	sbr.rel @p6 .LBB2_1-.Ltmp1, $4  }
0xf9: {  	_ =	swait.ge @!p5 [sflag:s0], $0x3E80  }
0xfa: {  	[sflag:s0] =	ssyncset.done @!p5 $0x0  }
0xfb: {  	[sflag:s0] =	ssyncadd.s32 @!p5 $0xFFFFC180  }
0xfc: {  	_ =	strace $0x9000004A  }
0xfd: {  	_ =	sfence.sel $0x180000  }
0xfe: {  	[bflag:$0x0] =	sbarrier.arrive $0xFFFF  }
0xff: {  	_ =	strace $0x90000047  }
0x100: {  	s0 =	stileid.u32;
	[bflag:$0x2] =	sbarrier.arrive $0xFFFF  }
0x101: {  	p0 =	sne.s32 s0, $0x0;
	s0 =	rddreg [dreg:$0x3]  }
0x102: {  	s0 =	sadd.s32 @!p0 $0x100000, s0  }
0x103: {  	[sflag:s0] =	ssyncadd.tile.s32 @!p0 $0x1;
	_ =	shalt  }
.Lfunc_end2:
_tile_overlayer_lowered:
.L_overlay_start_2:
0x104: {  	(tag) =	ssettag $0x2  }
0x105: {  	s0 =	rddreg [dreg:$0x0];
	s2 =	stileid.u32  }
0x106: {  	s1 =	rddreg [dreg:$0x1];
	p0 =	sne.s32 s2, $0x0  }
0x107: {  	s3 =	rddreg [dreg:$0x2];
	[bflag:$0x3] =	sbarrier.arrive $0xFFFF;
	s2 =	simm.s32 @!p0 $0x1C04  }
0x108: {  	[timem:s3], [sflag:s2] =	dma.local @!p0 [hbm:s0], s1  }
0x109: {  	s0 =	simm.s32 @!p0 $0x4  }
0x10a: {  	_ =	swait.ge @!p0 [sflag:s0], s1  }
0x10b: {  	s1 =	ssub.s32 @!p0 $0x0, s1;
	[sflag:s0] =	ssyncset.done @!p0 $0x0  }
0x10c: {  	[sflag:s0] =	ssyncadd.s32 @!p0 s1  }
0x10d: {  	[bflag:$0x3] =	sbarrier.arrive $0xFFFF  }
0x10e: {  	_ =	shalt  }

</sc_bundles>
